<compile_context>
chip_gen: v7x
topology: tpu7x:2x2x1
jax: 0.10.2.dev20260603
libtpu: 0.0.44.dev20260713+nightly
codegen_flags: <defaults>
</compile_context>

<pallas_src>
import functools

import jax
import jax.numpy as jnp
from jax import lax
from jax.experimental import pallas as pl
from jax.experimental.pallas import tpu as pltpu
from jax.experimental.pallas import tpu_sc as plsc

_LANES = 16
_CH = 128
_NBUF = 3


@functools.lru_cache(maxsize=None)
def _make_gather(total_rows, feat, rows_per_batch, table_rows_per_batch):
    info = plsc.get_sparse_core_info()
    nc, ns = info.num_cores, info.num_subcores
    nw = nc * ns
    per_w = total_rows // nw
    n_chunks = per_w // _CH
    n_main = (n_chunks // _NBUF) * _NBUF
    assert n_chunks - n_main == 2
    assert rows_per_batch % per_w == 0
    mesh = plsc.VectorSubcoreMesh(core_axis_name="c", subcore_axis_name="s")

    @functools.partial(
        pl.kernel,
        mesh=mesh,
        out_type=jax.ShapeDtypeStruct((total_rows, feat), jnp.float32),
        scratch_types=[
            pltpu.VMEM((per_w,), jnp.int32),
            pltpu.VMEM((_NBUF, _CH, feat), jnp.float32),
            pltpu.SemaphoreType.DMA,
            pltpu.SemaphoreType.DMA,
            pltpu.SemaphoreType.DMA,
            pltpu.SemaphoreType.DMA,
            pltpu.SemaphoreType.DMA,
            pltpu.SemaphoreType.DMA,
        ],
    )
    def gather_kernel(idx_hbm, table_hbm, out_hbm, idx_v, rbuf,
                      sg0, sg1, sg2, ss0, ss1, ss2):
        wid = lax.axis_index("s") * nc + lax.axis_index("c")
        base = wid * per_w
        off = (base // rows_per_batch) * table_rows_per_batch

        pltpu.sync_copy(idx_hbm.at[pl.ds(base, per_w)], idx_v)

        sg = (sg0, sg1, sg2)
        ss = (ss0, ss1, ss2)

        def adjust(i):
            for j in range(_CH // _LANES):
                sl = pl.ds(i * _CH + j * _LANES, _LANES)
                idx_v[sl] = idx_v[sl] + off

        def gather_desc(i, bf):
            return pltpu.make_async_copy(
                table_hbm.at[idx_v.at[pl.ds(i * _CH, _CH)]],
                rbuf.at[bf], sg[bf])

        def store_desc(i, bf):
            return pltpu.make_async_copy(
                rbuf.at[bf], out_hbm.at[pl.ds(base + i * _CH, _CH)], ss[bf])

        adjust(0)
        gather_desc(0, 0).start()
        adjust(1)
        gather_desc(1, 1).start()

        def step(i, bf):
            gather_desc(i, bf).wait()
            nb = (bf + 2) % _NBUF

            @pl.when(i >= 1)
            def _():
                store_desc(i - 1, nb).wait()

            @pl.when(i + 2 < n_chunks)
            def _():
                adjust(i + 2)
                gather_desc(i + 2, nb).start()

            store_desc(i, bf).start()

        def loop_body(g, carry):
            for bf in range(_NBUF):
                step(_NBUF * g + bf, bf)
            return carry

        lax.fori_loop(0, n_main // _NBUF, loop_body, 0)
        step(n_main, n_main % _NBUF)
        step(n_main + 1, (n_main + 1) % _NBUF)
        store_desc(n_chunks - 1, (n_chunks - 1) % _NBUF).wait()

    return gather_kernel


def kernel(lcas, features):
    batch, length, feat = features.shape
    table = jnp.concatenate(
        [jnp.zeros((batch, 1, feat), features.dtype), features], axis=1
    ).reshape(batch * (length + 1), feat)
    idx = lcas.astype(jnp.int32).reshape(-1)
    total = batch * length * length
    out = _make_gather(total, feat, length * length, length + 1)(idx, table)
    return out.reshape(batch, length, length, feat)

# --- scband reference (transcript-rebuilt; emitter-appended) ---
"""Pipeline reference for scband-lowest-common-ancestor-40750649704568 (READ-ONLY COPY).

The authoritative reference and input builder live on the scoring server;
editing this copy changes nothing except your own understanding.
"""

import jax, jax.numpy as jnp
import numpy as np


def setup_inputs(seed: int = 0) -> dict:
    key = jax.random.key(seed)
    k1, k2 = jax.random.split(key)
    batch, length, feat = 8, 128, 256
    # lcas[b, i, j] in [0, length], where 0 is the padding row (LCA matrix + 1)
    lcas = jax.random.randint(k1, (batch, length, length), 0, length + 1, dtype=jnp.int64)
    features = jax.random.normal(k2, (batch, length, feat), dtype=jnp.float32)
    return {"lcas": lcas, "features": features}


def reference(lcas, features):
    batch = features.shape[0]
    length = features.shape[1]
    feat = features.shape[2]
    # Prepend a zero row (padding index 0), matching torch.cat((zeros, features), dim=1)
    features_padded = jnp.concatenate(
        (jnp.zeros((batch, 1, feat), dtype=features.dtype), features), axis=1
    )
    # Flatten LCA index matrix: [B, L*L]
    lcas_flat = lcas.reshape(batch, length * length)
    # Batched gather along the token axis: per-sample index_select
    gathered = jnp.take_along_axis(
        features_padded, lcas_flat[:, :, None], axis=1
    )  # [B, L*L, F]
    return gathered.reshape(batch, length, length, feat)

if __name__ == "__main__":
    import jax
    _d = setup_inputs()
    print(jax.jit(kernel)(*tuple(_d.values())))

</pallas_src>

<mosaic_0001>
#map = affine_map<(d0, d1) -> (0)>
#map1 = affine_map<(d0, d1) -> (0, 0)>
module attributes {stable_mosaic.version = 14 : i64} {
  func.func @gather_kernel(%arg0: i32, %arg1: i32, %arg2: memref<131072xi32, #tpu.memory_space<hbm>>, %arg3: memref<1032x256xf32, #tpu.memory_space<hbm>>, %arg4: memref<131072x256xf32, #tpu.memory_space<hbm>>, %arg5: memref<4096xi32, #tpu.memory_space<vmem>>, %arg6: memref<3x128x256xf32, #tpu.memory_space<vmem>>, %arg7: memref<!tpu.dma_semaphore, #tpu.memory_space<semaphore_mem>>, %arg8: memref<!tpu.dma_semaphore, #tpu.memory_space<semaphore_mem>>, %arg9: memref<!tpu.dma_semaphore, #tpu.memory_space<semaphore_mem>>, %arg10: memref<!tpu.dma_semaphore, #tpu.memory_space<semaphore_mem>>, %arg11: memref<!tpu.dma_semaphore, #tpu.memory_space<semaphore_mem>>, %arg12: memref<!tpu.dma_semaphore, #tpu.memory_space<semaphore_mem>>) attributes {dimension_semantics = [#tpu.dimension_semantics<core_parallel>, #tpu.dimension_semantics<subcore_parallel>], iteration_bounds = array<i64: 2, 16>, scalar_prefetch = 0 : i64, scratch_operands = 8 : i64, tpu.core_type = #tpu.core_type<sc_vector_subcore>, window_params = [{transform_indices = #map}, {transform_indices = #map1}, {transform_indices = #map1}]} {
    %mul3A = arith.constant 2 : i32
    %mul3A_0 = arith.muli %arg1, %mul3A : i32
    %add3A = arith.addi %mul3A_0, %arg0 : i32
    %mul3A_1 = arith.constant 4096 : i32
    %mul3A_2 = arith.muli %add3A, %mul3A_1 : i32
    %jit3A = arith.constant 16384 : i32
    %div3A = arith.divsi %mul3A_2, %jit3A : i32
    %sign3A = arith.constant 0 : i32
    %sign3A_3 = arith.cmpi sgt, %mul3A_2, %sign3A : i32
    %sign3A_4 = arith.extui %sign3A_3 : i1 to i32
    %sign3A_5 = arith.constant 0 : i32
    %sign3A_6 = arith.cmpi slt, %mul3A_2, %sign3A_5 : i32
    %sign3A_7 = arith.extui %sign3A_6 : i1 to i32
    %sign3A_8 = arith.subi %sign3A_4, %sign3A_7 : i32
    %sign3A_9 = arith.constant 0 : i32
    %sign3A_10 = arith.cmpi sgt, %jit3A, %sign3A_9 : i32
    %sign3A_11 = arith.extui %sign3A_10 : i1 to i32
    %sign3A_12 = arith.constant 0 : i32
    %sign3A_13 = arith.cmpi slt, %jit3A, %sign3A_12 : i32
    %sign3A_14 = arith.extui %sign3A_13 : i1 to i32
    %sign3A_15 = arith.subi %sign3A_11, %sign3A_14 : i32
    %ne3A = arith.cmpi ne, %sign3A_8, %sign3A_15 : i32
    %rem3A = arith.remsi %mul3A_2, %jit3A : i32
    %ne3A_16 = arith.constant 0 : i32
    %ne3A_17 = arith.cmpi ne, %rem3A, %ne3A_16 : i32
    %and3A = arith.andi %ne3A, %ne3A_17 : i1
    %sub3A = arith.constant 1 : i32
    %sub3A_18 = arith.subi %div3A, %sub3A : i32
    %select_n3A = arith.select %and3A, %sub3A_18, %div3A : i32
    %mul3A_19 = arith.constant 129 : i32
    %mul3A_20 = arith.muli %select_n3A, %mul3A_19 : i32
    "tpu.region"() ({
      %run_scoped3A = tpu.sem_alloc : memref<!tpu.dma_semaphore, #tpu.memory_space<semaphore_mem>>
      %dma_start3A_281 = tpu.memref_slice %arg2[%mul3A_2] : memref<131072xi32, #tpu.memory_space<hbm>> -> memref<4096xi32, #tpu.memory_space<hbm>>
      %dma_start3A_282 = tpu.memref_slice %arg2[%mul3A_2] : memref<131072xi32, #tpu.memory_space<hbm>> -> memref<4096xi32, #tpu.memory_space<hbm>>
      tpu.enqueue_dma source(%dma_start3A_282 : memref<4096xi32, #tpu.memory_space<hbm>>) target(%arg5 : memref<4096xi32, #tpu.memory_space<vmem>>) target_semaphore(%run_scoped3A : memref<!tpu.dma_semaphore, #tpu.memory_space<semaphore_mem>>)
      %dma_wait3A_283 = tpu.memref_slice %arg2[%mul3A_2] : memref<131072xi32, #tpu.memory_space<hbm>> -> memref<4096xi32, #tpu.memory_space<hbm>>
      %dma_wait3A_284 = tpu.memref_slice %arg2[%mul3A_2] : memref<131072xi32, #tpu.memory_space<hbm>> -> memref<4096xi32, #tpu.memory_space<hbm>>
      tpu.wait_dma2 semaphore(%run_scoped3A : memref<!tpu.dma_semaphore, #tpu.memory_space<semaphore_mem>>) src(%dma_wait3A_284 : memref<4096xi32, #tpu.memory_space<hbm>>) dst(%arg5 : memref<4096xi32, #tpu.memory_space<vmem>>)
      tpu.yield
    }) : () -> ()
    %get3A = arith.constant 0 : index
    %get3A_21 = tpu.vector_load %arg5[%get3A] {strides = array<i32>} : memref<4096xi32, #tpu.memory_space<vmem>>, vector<16xi32>,
    %get3A_22 = vector.shape_cast %get3A_21 : vector<16xi32> to vector<16xi32>
    %add3A_23 = vector.broadcast %mul3A_20 : i32 to vector<16xi32>
    %add3A_24 = arith.addi %get3A_22, %add3A_23 : vector<16xi32>
    %swap3A = arith.constant 0 : index
    %swap3A_25 = tpu.vector_load %arg5[%swap3A] {strides = array<i32>} : memref<4096xi32, #tpu.memory_space<vmem>>, vector<16xi32>,
    %swap3A_26 = vector.shape_cast %swap3A_25 : vector<16xi32> to vector<16xi32>
    %swap3A_27 = vector.shape_cast %add3A_24 : vector<16xi32> to vector<16xi32>
    tpu.vector_store %arg5[%swap3A], %swap3A_27 {strides = array<i32>} : memref<4096xi32, #tpu.memory_space<vmem>>, vector<16xi32>,
    %get3A_28 = arith.constant 16 : index
    %get3A_29 = tpu.vector_load %arg5[%get3A_28] {strides = array<i32>} : memref<4096xi32, #tpu.memory_space<vmem>>, vector<16xi32>,
    %get3A_30 = vector.shape_cast %get3A_29 : vector<16xi32> to vector<16xi32>
    %add3A_31 = vector.broadcast %mul3A_20 : i32 to vector<16xi32>
    %add3A_32 = arith.addi %get3A_30, %add3A_31 : vector<16xi32>
    %swap3A_33 = arith.constant 16 : index
    %swap3A_34 = tpu.vector_load %arg5[%swap3A_33] {strides = array<i32>} : memref<4096xi32, #tpu.memory_space<vmem>>, vector<16xi32>,
    %swap3A_35 = vector.shape_cast %swap3A_34 : vector<16xi32> to vector<16xi32>
    %swap3A_36 = vector.shape_cast %add3A_32 : vector<16xi32> to vector<16xi32>
    tpu.vector_store %arg5[%swap3A_33], %swap3A_36 {strides = array<i32>} : memref<4096xi32, #tpu.memory_space<vmem>>, vector<16xi32>,
    %get3A_37 = arith.constant 32 : index
    %get3A_38 = tpu.vector_load %arg5[%get3A_37] {strides = array<i32>} : memref<4096xi32, #tpu.memory_space<vmem>>, vector<16xi32>,
    %get3A_39 = vector.shape_cast %get3A_38 : vector<16xi32> to vector<16xi32>
    %add3A_40 = vector.broadcast %mul3A_20 : i32 to vector<16xi32>
    %add3A_41 = arith.addi %get3A_39, %add3A_40 : vector<16xi32>
    %swap3A_42 = arith.constant 32 : index
    %swap3A_43 = tpu.vector_load %arg5[%swap3A_42] {strides = array<i32>} : memref<4096xi32, #tpu.memory_space<vmem>>, vector<16xi32>,
    %swap3A_44 = vector.shape_cast %swap3A_43 : vector<16xi32> to vector<16xi32>
    %swap3A_45 = vector.shape_cast %add3A_41 : vector<16xi32> to vector<16xi32>
    tpu.vector_store %arg5[%swap3A_42], %swap3A_45 {strides = array<i32>} : memref<4096xi32, #tpu.memory_space<vmem>>, vector<16xi32>,
    %get3A_46 = arith.constant 48 : index
    %get3A_47 = tpu.vector_load %arg5[%get3A_46] {strides = array<i32>} : memref<4096xi32, #tpu.memory_space<vmem>>, vector<16xi32>,
    %get3A_48 = vector.shape_cast %get3A_47 : vector<16xi32> to vector<16xi32>
    %add3A_49 = vector.broadcast %mul3A_20 : i32 to vector<16xi32>
    %add3A_50 = arith.addi %get3A_48, %add3A_49 : vector<16xi32>
    %swap3A_51 = arith.constant 48 : index
    %swap3A_52 = tpu.vector_load %arg5[%swap3A_51] {strides = array<i32>} : memref<4096xi32, #tpu.memory_space<vmem>>, vector<16xi32>,
    %swap3A_53 = vector.shape_cast %swap3A_52 : vector<16xi32> to vector<16xi32>
    %swap3A_54 = vector.shape_cast %add3A_50 : vector<16xi32> to vector<16xi32>
    tpu.vector_store %arg5[%swap3A_51], %swap3A_54 {strides = array<i32>} : memref<4096xi32, #tpu.memory_space<vmem>>, vector<16xi32>,
    %get3A_55 = arith.constant 64 : index
    %get3A_56 = tpu.vector_load %arg5[%get3A_55] {strides = array<i32>} : memref<4096xi32, #tpu.memory_space<vmem>>, vector<16xi32>,
    %get3A_57 = vector.shape_cast %get3A_56 : vector<16xi32> to vector<16xi32>
    %add3A_58 = vector.broadcast %mul3A_20 : i32 to vector<16xi32>
    %add3A_59 = arith.addi %get3A_57, %add3A_58 : vector<16xi32>
    %swap3A_60 = arith.constant 64 : index
    %swap3A_61 = tpu.vector_load %arg5[%swap3A_60] {strides = array<i32>} : memref<4096xi32, #tpu.memory_space<vmem>>, vector<16xi32>,
    %swap3A_62 = vector.shape_cast %swap3A_61 : vector<16xi32> to vector<16xi32>
    %swap3A_63 = vector.shape_cast %add3A_59 : vector<16xi32> to vector<16xi32>
    tpu.vector_store %arg5[%swap3A_60], %swap3A_63 {strides = array<i32>} : memref<4096xi32, #tpu.memory_space<vmem>>, vector<16xi32>,
    %get3A_64 = arith.constant 80 : index
    %get3A_65 = tpu.vector_load %arg5[%get3A_64] {strides = array<i32>} : memref<4096xi32, #tpu.memory_space<vmem>>, vector<16xi32>,
    %get3A_66 = vector.shape_cast %get3A_65 : vector<16xi32> to vector<16xi32>
    %add3A_67 = vector.broadcast %mul3A_20 : i32 to vector<16xi32>
    %add3A_68 = arith.addi %get3A_66, %add3A_67 : vector<16xi32>
    %swap3A_69 = arith.constant 80 : index
    %swap3A_70 = tpu.vector_load %arg5[%swap3A_69] {strides = array<i32>} : memref<4096xi32, #tpu.memory_space<vmem>>, vector<16xi32>,
    %swap3A_71 = vector.shape_cast %swap3A_70 : vector<16xi32> to vector<16xi32>
    %swap3A_72 = vector.shape_cast %add3A_68 : vector<16xi32> to vector<16xi32>
    tpu.vector_store %arg5[%swap3A_69], %swap3A_72 {strides = array<i32>} : memref<4096xi32, #tpu.memory_space<vmem>>, vector<16xi32>,
    %get3A_73 = arith.constant 96 : index
    %get3A_74 = tpu.vector_load %arg5[%get3A_73] {strides = array<i32>} : memref<4096xi32, #tpu.memory_space<vmem>>, vector<16xi32>,
    %get3A_75 = vector.shape_cast %get3A_74 : vector<16xi32> to vector<16xi32>
    %add3A_76 = vector.broadcast %mul3A_20 : i32 to vector<16xi32>
    %add3A_77 = arith.addi %get3A_75, %add3A_76 : vector<16xi32>
    %swap3A_78 = arith.constant 96 : index
    %swap3A_79 = tpu.vector_load %arg5[%swap3A_78] {strides = array<i32>} : memref<4096xi32, #tpu.memory_space<vmem>>, vector<16xi32>,
    %swap3A_80 = vector.shape_cast %swap3A_79 : vector<16xi32> to vector<16xi32>
    %swap3A_81 = vector.shape_cast %add3A_77 : vector<16xi32> to vector<16xi32>
    tpu.vector_store %arg5[%swap3A_78], %swap3A_81 {strides = array<i32>} : memref<4096xi32, #tpu.memory_space<vmem>>, vector<16xi32>,
    %get3A_82 = arith.constant 112 : index
    %get3A_83 = tpu.vector_load %arg5[%get3A_82] {strides = array<i32>} : memref<4096xi32, #tpu.memory_space<vmem>>, vector<16xi32>,
    %get3A_84 = vector.shape_cast %get3A_83 : vector<16xi32> to vector<16xi32>
    %add3A_85 = vector.broadcast %mul3A_20 : i32 to vector<16xi32>
    %add3A_86 = arith.addi %get3A_84, %add3A_85 : vector<16xi32>
    %swap3A_87 = arith.constant 112 : index
    %swap3A_88 = tpu.vector_load %arg5[%swap3A_87] {strides = array<i32>} : memref<4096xi32, #tpu.memory_space<vmem>>, vector<16xi32>,
    %swap3A_89 = vector.shape_cast %swap3A_88 : vector<16xi32> to vector<16xi32>
    %swap3A_90 = vector.shape_cast %add3A_86 : vector<16xi32> to vector<16xi32>
    tpu.vector_store %arg5[%swap3A_87], %swap3A_90 {strides = array<i32>} : memref<4096xi32, #tpu.memory_space<vmem>>, vector<16xi32>,
    %dma_start3A = arith.constant 0 : i32
    %dma_start3A_91 = arith.constant 0 : i32
    %dma_start3A_92 = arith.constant 0 : i32
    %dma_start3A_93 = tpu.memref_slice %arg6[%dma_start3A, %dma_start3A_91, %dma_start3A_92] : memref<3x128x256xf32, #tpu.memory_space<vmem>> -> memref<1x128x256xf32, #tpu.memory_space<vmem>>
    %dma_start3A_94 = tpu.memref_squeeze %dma_start3A_93 : memref<1x128x256xf32, #tpu.memory_space<vmem>> -> memref<128x256xf32, #tpu.memory_space<vmem>>
    %dma_start3A_95 = arith.constant 0 : i32
    %dma_start3A_96 = tpu.memref_slice %arg5[%dma_start3A_95] : memref<4096xi32, #tpu.memory_space<vmem>> -> memref<128xi32, #tpu.memory_space<vmem>>
    %dma_start3A_97 = arith.constant 0 : i32
    %dma_start3A_98 = arith.constant 0 : i32
    %dma_start3A_99 = tpu.memref_slice %arg3[%dma_start3A_97, %dma_start3A_98] : memref<1032x256xf32, #tpu.memory_space<hbm>> -> memref<1032x256xf32, #tpu.memory_space<hbm>>
    tpu.enqueue_indirect_dma source(%dma_start3A_99 : memref<1032x256xf32, #tpu.memory_space<hbm>>) target(%dma_start3A_94 : memref<128x256xf32, #tpu.memory_space<vmem>>) offsets(%dma_start3A_96 : memref<128xi32, #tpu.memory_space<vmem>>) semaphore(%arg7 : memref<!tpu.dma_semaphore, #tpu.memory_space<semaphore_mem>>)
    %get3A_100 = arith.constant 128 : index
    %get3A_101 = tpu.vector_load %arg5[%get3A_100] {strides = array<i32>} : memref<4096xi32, #tpu.memory_space<vmem>>, vector<16xi32>,
    %get3A_102 = vector.shape_cast %get3A_101 : vector<16xi32> to vector<16xi32>
    %add3A_103 = vector.broadcast %mul3A_20 : i32 to vector<16xi32>
    %add3A_104 = arith.addi %get3A_102, %add3A_103 : vector<16xi32>
    %swap3A_105 = arith.constant 128 : index
    %swap3A_106 = tpu.vector_load %arg5[%swap3A_105] {strides = array<i32>} : memref<4096xi32, #tpu.memory_space<vmem>>, vector<16xi32>,
    %swap3A_107 = vector.shape_cast %swap3A_106 : vector<16xi32> to vector<16xi32>
    %swap3A_108 = vector.shape_cast %add3A_104 : vector<16xi32> to vector<16xi32>
    tpu.vector_store %arg5[%swap3A_105], %swap3A_108 {strides = array<i32>} : memref<4096xi32, #tpu.memory_space<vmem>>, vector<16xi32>,
    %get3A_109 = arith.constant 144 : index
    %get3A_110 = tpu.vector_load %arg5[%get3A_109] {strides = array<i32>} : memref<4096xi32, #tpu.memory_space<vmem>>, vector<16xi32>,
    %get3A_111 = vector.shape_cast %get3A_110 : vector<16xi32> to vector<16xi32>
    %add3A_112 = vector.broadcast %mul3A_20 : i32 to vector<16xi32>
    %add3A_113 = arith.addi %get3A_111, %add3A_112 : vector<16xi32>
    %swap3A_114 = arith.constant 144 : index
    %swap3A_115 = tpu.vector_load %arg5[%swap3A_114] {strides = array<i32>} : memref<4096xi32, #tpu.memory_space<vmem>>, vector<16xi32>,
    %swap3A_116 = vector.shape_cast %swap3A_115 : vector<16xi32> to vector<16xi32>
    %swap3A_117 = vector.shape_cast %add3A_113 : vector<16xi32> to vector<16xi32>
    tpu.vector_store %arg5[%swap3A_114], %swap3A_117 {strides = array<i32>} : memref<4096xi32, #tpu.memory_space<vmem>>, vector<16xi32>,
    %get3A_118 = arith.constant 160 : index
    %get3A_119 = tpu.vector_load %arg5[%get3A_118] {strides = array<i32>} : memref<4096xi32, #tpu.memory_space<vmem>>, vector<16xi32>,
    %get3A_120 = vector.shape_cast %get3A_119 : vector<16xi32> to vector<16xi32>
    %add3A_121 = vector.broadcast %mul3A_20 : i32 to vector<16xi32>
    %add3A_122 = arith.addi %get3A_120, %add3A_121 : vector<16xi32>
    %swap3A_123 = arith.constant 160 : index
    %swap3A_124 = tpu.vector_load %arg5[%swap3A_123] {strides = array<i32>} : memref<4096xi32, #tpu.memory_space<vmem>>, vector<16xi32>,
    %swap3A_125 = vector.shape_cast %swap3A_124 : vector<16xi32> to vector<16xi32>
    %swap3A_126 = vector.shape_cast %add3A_122 : vector<16xi32> to vector<16xi32>
    tpu.vector_store %arg5[%swap3A_123], %swap3A_126 {strides = array<i32>} : memref<4096xi32, #tpu.memory_space<vmem>>, vector<16xi32>,
    %get3A_127 = arith.constant 176 : index
    %get3A_128 = tpu.vector_load %arg5[%get3A_127] {strides = array<i32>} : memref<4096xi32, #tpu.memory_space<vmem>>, vector<16xi32>,
    %get3A_129 = vector.shape_cast %get3A_128 : vector<16xi32> to vector<16xi32>
    %add3A_130 = vector.broadcast %mul3A_20 : i32 to vector<16xi32>
    %add3A_131 = arith.addi %get3A_129, %add3A_130 : vector<16xi32>
    %swap3A_132 = arith.constant 176 : index
    %swap3A_133 = tpu.vector_load %arg5[%swap3A_132] {strides = array<i32>} : memref<4096xi32, #tpu.memory_space<vmem>>, vector<16xi32>,
    %swap3A_134 = vector.shape_cast %swap3A_133 : vector<16xi32> to vector<16xi32>
    %swap3A_135 = vector.shape_cast %add3A_131 : vector<16xi32> to vector<16xi32>
    tpu.vector_store %arg5[%swap3A_132], %swap3A_135 {strides = array<i32>} : memref<4096xi32, #tpu.memory_space<vmem>>, vector<16xi32>,
    %get3A_136 = arith.constant 192 : index
    %get3A_137 = tpu.vector_load %arg5[%get3A_136] {strides = array<i32>} : memref<4096xi32, #tpu.memory_space<vmem>>, vector<16xi32>,
    %get3A_138 = vector.shape_cast %get3A_137 : vector<16xi32> to vector<16xi32>
    %add3A_139 = vector.broadcast %mul3A_20 : i32 to vector<16xi32>
    %add3A_140 = arith.addi %get3A_138, %add3A_139 : vector<16xi32>
    %swap3A_141 = arith.constant 192 : index
    %swap3A_142 = tpu.vector_load %arg5[%swap3A_141] {strides = array<i32>} : memref<4096xi32, #tpu.memory_space<vmem>>, vector<16xi32>,
    %swap3A_143 = vector.shape_cast %swap3A_142 : vector<16xi32> to vector<16xi32>
    %swap3A_144 = vector.shape_cast %add3A_140 : vector<16xi32> to vector<16xi32>
    tpu.vector_store %arg5[%swap3A_141], %swap3A_144 {strides = array<i32>} : memref<4096xi32, #tpu.memory_space<vmem>>, vector<16xi32>,
    %get3A_145 = arith.constant 208 : index
    %get3A_146 = tpu.vector_load %arg5[%get3A_145] {strides = array<i32>} : memref<4096xi32, #tpu.memory_space<vmem>>, vector<16xi32>,
    %get3A_147 = vector.shape_cast %get3A_146 : vector<16xi32> to vector<16xi32>
    %add3A_148 = vector.broadcast %mul3A_20 : i32 to vector<16xi32>
    %add3A_149 = arith.addi %get3A_147, %add3A_148 : vector<16xi32>
    %swap3A_150 = arith.constant 208 : index
    %swap3A_151 = tpu.vector_load %arg5[%swap3A_150] {strides = array<i32>} : memref<4096xi32, #tpu.memory_space<vmem>>, vector<16xi32>,
    %swap3A_152 = vector.shape_cast %swap3A_151 : vector<16xi32> to vector<16xi32>
    %swap3A_153 = vector.shape_cast %add3A_149 : vector<16xi32> to vector<16xi32>
    tpu.vector_store %arg5[%swap3A_150], %swap3A_153 {strides = array<i32>} : memref<4096xi32, #tpu.memory_space<vmem>>, vector<16xi32>,
    %get3A_154 = arith.constant 224 : index
    %get3A_155 = tpu.vector_load %arg5[%get3A_154] {strides = array<i32>} : memref<4096xi32, #tpu.memory_space<vmem>>, vector<16xi32>,
    %get3A_156 = vector.shape_cast %get3A_155 : vector<16xi32> to vector<16xi32>
    %add3A_157 = vector.broadcast %mul3A_20 : i32 to vector<16xi32>
    %add3A_158 = arith.addi %get3A_156, %add3A_157 : vector<16xi32>
    %swap3A_159 = arith.constant 224 : index
    %swap3A_160 = tpu.vector_load %arg5[%swap3A_159] {strides = array<i32>} : memref<4096xi32, #tpu.memory_space<vmem>>, vector<16xi32>,
    %swap3A_161 = vector.shape_cast %swap3A_160 : vector<16xi32> to vector<16xi32>
    %swap3A_162 = vector.shape_cast %add3A_158 : vector<16xi32> to vector<16xi32>
    tpu.vector_store %arg5[%swap3A_159], %swap3A_162 {strides = array<i32>} : memref<4096xi32, #tpu.memory_space<vmem>>, vector<16xi32>,
    %get3A_163 = arith.constant 240 : index
    %get3A_164 = tpu.vector_load %arg5[%get3A_163] {strides = array<i32>} : memref<4096xi32, #tpu.memory_space<vmem>>, vector<16xi32>,
    %get3A_165 = vector.shape_cast %get3A_164 : vector<16xi32> to vector<16xi32>
    %add3A_166 = vector.broadcast %mul3A_20 : i32 to vector<16xi32>
    %add3A_167 = arith.addi %get3A_165, %add3A_166 : vector<16xi32>
    %swap3A_168 = arith.constant 240 : index
    %swap3A_169 = tpu.vector_load %arg5[%swap3A_168] {strides = array<i32>} : memref<4096xi32, #tpu.memory_space<vmem>>, vector<16xi32>,
    %swap3A_170 = vector.shape_cast %swap3A_169 : vector<16xi32> to vector<16xi32>
    %swap3A_171 = vector.shape_cast %add3A_167 : vector<16xi32> to vector<16xi32>
    tpu.vector_store %arg5[%swap3A_168], %swap3A_171 {strides = array<i32>} : memref<4096xi32, #tpu.memory_space<vmem>>, vector<16xi32>,
    %dma_start3A_172 = arith.constant 1 : i32
    %dma_start3A_173 = arith.constant 0 : i32
    %dma_start3A_174 = arith.constant 0 : i32
    %dma_start3A_175 = tpu.memref_slice %arg6[%dma_start3A_172, %dma_start3A_173, %dma_start3A_174] : memref<3x128x256xf32, #tpu.memory_space<vmem>> -> memref<1x128x256xf32, #tpu.memory_space<vmem>>
    %dma_start3A_176 = tpu.memref_squeeze %dma_start3A_175 : memref<1x128x256xf32, #tpu.memory_space<vmem>> -> memref<128x256xf32, #tpu.memory_space<vmem>>
    %dma_start3A_177 = arith.constant 128 : i32
    %dma_start3A_178 = tpu.memref_slice %arg5[%dma_start3A_177] : memref<4096xi32, #tpu.memory_space<vmem>> -> memref<128xi32, #tpu.memory_space<vmem>>
    %dma_start3A_179 = arith.constant 0 : i32
    %dma_start3A_180 = arith.constant 0 : i32
    %dma_start3A_181 = tpu.memref_slice %arg3[%dma_start3A_179, %dma_start3A_180] : memref<1032x256xf32, #tpu.memory_space<hbm>> -> memref<1032x256xf32, #tpu.memory_space<hbm>>
    tpu.enqueue_indirect_dma source(%dma_start3A_181 : memref<1032x256xf32, #tpu.memory_space<hbm>>) target(%dma_start3A_176 : memref<128x256xf32, #tpu.memory_space<vmem>>) offsets(%dma_start3A_178 : memref<128xi32, #tpu.memory_space<vmem>>) semaphore(%arg8 : memref<!tpu.dma_semaphore, #tpu.memory_space<semaphore_mem>>)
    %scan3A = arith.constant 0 : i32
    %scan3A_182 = arith.constant 0 : i32
    %scan3A_183 = arith.constant 10 : i32
    %scan3A_184 = arith.addi %scan3A_182, %scan3A_183 : i32
    %scan3A_185 = arith.constant 1 : i32
    scf.for %scan3A_281 = %scan3A_182 to %scan3A_184 step %scan3A_185  : i32 {
      %mul3A_282 = arith.constant 3 : i32
      %mul3A_283 = arith.muli %mul3A_282, %scan3A_281 : i32
      %add3A_284 = arith.constant 0 : i32
      %add3A_285 = arith.addi %mul3A_283, %add3A_284 : i32
      %mul3A_286 = arith.constant 128 : i32
      %mul3A_287 = arith.muli %add3A_285, %mul3A_286 : i32
      %dma_wait3A_288 = arith.constant 0 : i32
      %dma_wait3A_289 = arith.constant 0 : i32
      %dma_wait3A_290 = arith.constant 0 : i32
      %dma_wait3A_291 = tpu.memref_slice %arg6[%dma_wait3A_288, %dma_wait3A_289, %dma_wait3A_290] : memref<3x128x256xf32, #tpu.memory_space<vmem>> -> memref<1x128x256xf32, #tpu.memory_space<vmem>>
      %dma_wait3A_292 = tpu.memref_squeeze %dma_wait3A_291 : memref<1x128x256xf32, #tpu.memory_space<vmem>> -> memref<128x256xf32, #tpu.memory_space<vmem>>
      %dma_wait3A_293 = tpu.memref_slice %arg5[%mul3A_287] : memref<4096xi32, #tpu.memory_space<vmem>> -> memref<128xi32, #tpu.memory_space<vmem>>
      %dma_wait3A_294 = arith.constant 0 : i32
      %dma_wait3A_295 = arith.constant 0 : i32
      %dma_wait3A_296 = tpu.memref_slice %arg3[%dma_wait3A_294, %dma_wait3A_295] : memref<1032x256xf32, #tpu.memory_space<hbm>> -> memref<1032x256xf32, #tpu.memory_space<hbm>>
      tpu.wait_indirect_dma semaphore(%arg7 : memref<!tpu.dma_semaphore, #tpu.memory_space<semaphore_mem>>) src(%dma_wait3A_296 : memref<1032x256xf32, #tpu.memory_space<hbm>>) dst(%dma_wait3A_292 : memref<128x256xf32, #tpu.memory_space<vmem>>)
      %ge3A = arith.constant 1 : i32
      %ge3A_297 = arith.cmpi sge, %add3A_285, %ge3A : i32
      %convert_element_type3A = arith.extui %ge3A_297 : i1 to i32
      %cond3A = arith.constant 0 : i32
      %cond3A_298 = arith.cmpi ne, %convert_element_type3A, %cond3A : i32
      scf.if %cond3A_298 {
        %sub3A_407 = arith.constant 1 : i32
        %sub3A_408 = arith.subi %add3A_285, %sub3A_407 : i32
        %mul3A_409 = arith.constant 128 : i32
        %mul3A_410 = arith.muli %sub3A_408, %mul3A_409 : i32
        %add3A_411 = arith.addi %mul3A_2, %mul3A_410 : i32
        %dma_wait3A_412 = arith.constant 2 : i32
        %dma_wait3A_413 = arith.constant 0 : i32
        %dma_wait3A_414 = arith.constant 0 : i32
        %dma_wait3A_415 = tpu.memref_slice %arg6[%dma_wait3A_412, %dma_wait3A_413, %dma_wait3A_414] : memref<3x128x256xf32, #tpu.memory_space<vmem>> -> memref<1x128x256xf32, #tpu.memory_space<vmem>>
        %dma_wait3A_416 = tpu.memref_squeeze %dma_wait3A_415 : memref<1x128x256xf32, #tpu.memory_space<vmem>> -> memref<128x256xf32, #tpu.memory_space<vmem>>
        %dma_wait3A_417 = arith.constant 0 : i32
        %dma_wait3A_418 = tpu.memref_slice %arg4[%add3A_411, %dma_wait3A_417] : memref<131072x256xf32, #tpu.memory_space<hbm>> -> memref<128x256xf32, #tpu.memory_space<hbm>>
        %dma_wait3A_419 = arith.constant 0 : i32
        %dma_wait3A_420 = tpu.memref_slice %arg4[%add3A_411, %dma_wait3A_419] : memref<131072x256xf32, #tpu.memory_space<hbm>> -> memref<128x256xf32, #tpu.memory_space<hbm>>
        %dma_wait3A_421 = arith.constant 0 : i32
        %dma_wait3A_422 = arith.constant 0 : i32
        %dma_wait3A_423 = tpu.memref_slice %arg6[%dma_wait3A_412, %dma_wait3A_421, %dma_wait3A_422] : memref<3x128x256xf32, #tpu.memory_space<vmem>> -> memref<1x128x256xf32, #tpu.memory_space<vmem>>
        %dma_wait3A_424 = tpu.memref_squeeze %dma_wait3A_423 : memref<1x128x256xf32, #tpu.memory_space<vmem>> -> memref<128x256xf32, #tpu.memory_space<vmem>>
        tpu.wait_dma2 semaphore(%arg12 : memref<!tpu.dma_semaphore, #tpu.memory_space<semaphore_mem>>) src(%dma_wait3A_424 : memref<128x256xf32, #tpu.memory_space<vmem>>) dst(%dma_wait3A_420 : memref<128x256xf32, #tpu.memory_space<hbm>>)
      } else {
      }
      %add3A_299 = arith.constant 2 : i32
      %add3A_300 = arith.addi %add3A_285, %add3A_299 : i32
      %lt3A = arith.constant 32 : i32
      %lt3A_301 = arith.cmpi slt, %add3A_300, %lt3A : i32
      %convert_element_type3A_302 = arith.extui %lt3A_301 : i1 to i32
      %cond3A_303 = arith.constant 0 : i32
      %cond3A_304 = arith.cmpi ne, %convert_element_type3A_302, %cond3A_303 : i32
      scf.if %cond3A_304 {
        %add3A_407 = arith.constant 2 : i32
        %add3A_408 = arith.addi %add3A_285, %add3A_407 : i32
        %mul3A_409 = arith.constant 128 : i32
        %mul3A_410 = arith.muli %add3A_408, %mul3A_409 : i32
        %add3A_411 = arith.constant 0 : i32
        %add3A_412 = arith.addi %mul3A_410, %add3A_411 : i32
        %get3A_413 = arith.index_cast %add3A_412 : i32 to index
        %get3A_414 = tpu.vector_load %arg5[%get3A_413] {strides = array<i32>} : memref<4096xi32, #tpu.memory_space<vmem>>, vector<16xi32>,
        %get3A_415 = vector.shape_cast %get3A_414 : vector<16xi32> to vector<16xi32>
        %add3A_416 = vector.broadcast %mul3A_20 : i32 to vector<16xi32>
        %add3A_417 = arith.addi %get3A_415, %add3A_416 : vector<16xi32>
        %swap3A_418 = arith.index_cast %add3A_412 : i32 to index
        %swap3A_419 = tpu.vector_load %arg5[%swap3A_418] {strides = array<i32>} : memref<4096xi32, #tpu.memory_space<vmem>>, vector<16xi32>,
        %swap3A_420 = vector.shape_cast %swap3A_419 : vector<16xi32> to vector<16xi32>
        %swap3A_421 = vector.shape_cast %add3A_417 : vector<16xi32> to vector<16xi32>
        tpu.vector_store %arg5[%swap3A_418], %swap3A_421 {strides = array<i32>} : memref<4096xi32, #tpu.memory_space<vmem>>, vector<16xi32>,
        %mul3A_422 = arith.constant 128 : i32
        %mul3A_423 = arith.muli %add3A_408, %mul3A_422 : i32
        %add3A_424 = arith.constant 16 : i32
        %add3A_425 = arith.addi %mul3A_423, %add3A_424 : i32
        %get3A_426 = arith.index_cast %add3A_425 : i32 to index
        %get3A_427 = tpu.vector_load %arg5[%get3A_426] {strides = array<i32>} : memref<4096xi32, #tpu.memory_space<vmem>>, vector<16xi32>,
        %get3A_428 = vector.shape_cast %get3A_427 : vector<16xi32> to vector<16xi32>
        %add3A_429 = vector.broadcast %mul3A_20 : i32 to vector<16xi32>
        %add3A_430 = arith.addi %get3A_428, %add3A_429 : vector<16xi32>
        %swap3A_431 = arith.index_cast %add3A_425 : i32 to index
        %swap3A_432 = tpu.vector_load %arg5[%swap3A_431] {strides = array<i32>} : memref<4096xi32, #tpu.memory_space<vmem>>, vector<16xi32>,
        %swap3A_433 = vector.shape_cast %swap3A_432 : vector<16xi32> to vector<16xi32>
        %swap3A_434 = vector.shape_cast %add3A_430 : vector<16xi32> to vector<16xi32>
        tpu.vector_store %arg5[%swap3A_431], %swap3A_434 {strides = array<i32>} : memref<4096xi32, #tpu.memory_space<vmem>>, vector<16xi32>,
        %mul3A_435 = arith.constant 128 : i32
        %mul3A_436 = arith.muli %add3A_408, %mul3A_435 : i32
        %add3A_437 = arith.constant 32 : i32
        %add3A_438 = arith.addi %mul3A_436, %add3A_437 : i32
        %get3A_439 = arith.index_cast %add3A_438 : i32 to index
        %get3A_440 = tpu.vector_load %arg5[%get3A_439] {strides = array<i32>} : memref<4096xi32, #tpu.memory_space<vmem>>, vector<16xi32>,
        %get3A_441 = vector.shape_cast %get3A_440 : vector<16xi32> to vector<16xi32>
        %add3A_442 = vector.broadcast %mul3A_20 : i32 to vector<16xi32>
        %add3A_443 = arith.addi %get3A_441, %add3A_442 : vector<16xi32>
        %swap3A_444 = arith.index_cast %add3A_438 : i32 to index
        %swap3A_445 = tpu.vector_load %arg5[%swap3A_444] {strides = array<i32>} : memref<4096xi32, #tpu.memory_space<vmem>>, vector<16xi32>,
        %swap3A_446 = vector.shape_cast %swap3A_445 : vector<16xi32> to vector<16xi32>
        %swap3A_447 = vector.shape_cast %add3A_443 : vector<16xi32> to vector<16xi32>
        tpu.vector_store %arg5[%swap3A_444], %swap3A_447 {strides = array<i32>} : memref<4096xi32, #tpu.memory_space<vmem>>, vector<16xi32>,
        %mul3A_448 = arith.constant 128 : i32
        %mul3A_449 = arith.muli %add3A_408, %mul3A_448 : i32
        %add3A_450 = arith.constant 48 : i32
        %add3A_451 = arith.addi %mul3A_449, %add3A_450 : i32
        %get3A_452 = arith.index_cast %add3A_451 : i32 to index
        %get3A_453 = tpu.vector_load %arg5[%get3A_452] {strides = array<i32>} : memref<4096xi32, #tpu.memory_space<vmem>>, vector<16xi32>,
        %get3A_454 = vector.shape_cast %get3A_453 : vector<16xi32> to vector<16xi32>
        %add3A_455 = vector.broadcast %mul3A_20 : i32 to vector<16xi32>
        %add3A_456 = arith.addi %get3A_454, %add3A_455 : vector<16xi32>
        %swap3A_457 = arith.index_cast %add3A_451 : i32 to index
        %swap3A_458 = tpu.vector_load %arg5[%swap3A_457] {strides = array<i32>} : memref<4096xi32, #tpu.memory_space<vmem>>, vector<16xi32>,
        %swap3A_459 = vector.shape_cast %swap3A_458 : vector<16xi32> to vector<16xi32>
        %swap3A_460 = vector.shape_cast %add3A_456 : vector<16xi32> to vector<16xi32>
        tpu.vector_store %arg5[%swap3A_457], %swap3A_460 {strides = array<i32>} : memref<4096xi32, #tpu.memory_space<vmem>>, vector<16xi32>,
        %mul3A_461 = arith.constant 128 : i32
        %mul3A_462 = arith.muli %add3A_408, %mul3A_461 : i32
        %add3A_463 = arith.constant 64 : i32
        %add3A_464 = arith.addi %mul3A_462, %add3A_463 : i32
        %get3A_465 = arith.index_cast %add3A_464 : i32 to index
        %get3A_466 = tpu.vector_load %arg5[%get3A_465] {strides = array<i32>} : memref<4096xi32, #tpu.memory_space<vmem>>, vector<16xi32>,
        %get3A_467 = vector.shape_cast %get3A_466 : vector<16xi32> to vector<16xi32>
        %add3A_468 = vector.broadcast %mul3A_20 : i32 to vector<16xi32>
        %add3A_469 = arith.addi %get3A_467, %add3A_468 : vector<16xi32>
        %swap3A_470 = arith.index_cast %add3A_464 : i32 to index
        %swap3A_471 = tpu.vector_load %arg5[%swap3A_470] {strides = array<i32>} : memref<4096xi32, #tpu.memory_space<vmem>>, vector<16xi32>,
        %swap3A_472 = vector.shape_cast %swap3A_471 : vector<16xi32> to vector<16xi32>
        %swap3A_473 = vector.shape_cast %add3A_469 : vector<16xi32> to vector<16xi32>
        tpu.vector_store %arg5[%swap3A_470], %swap3A_473 {strides = array<i32>} : memref<4096xi32, #tpu.memory_space<vmem>>, vector<16xi32>,
        %mul3A_474 = arith.constant 128 : i32
        %mul3A_475 = arith.muli %add3A_408, %mul3A_474 : i32
        %add3A_476 = arith.constant 80 : i32
        %add3A_477 = arith.addi %mul3A_475, %add3A_476 : i32
        %get3A_478 = arith.index_cast %add3A_477 : i32 to index
        %get3A_479 = tpu.vector_load %arg5[%get3A_478] {strides = array<i32>} : memref<4096xi32, #tpu.memory_space<vmem>>, vector<16xi32>,
        %get3A_480 = vector.shape_cast %get3A_479 : vector<16xi32> to vector<16xi32>
        %add3A_481 = vector.broadcast %mul3A_20 : i32 to vector<16xi32>
        %add3A_482 = arith.addi %get3A_480, %add3A_481 : vector<16xi32>
        %swap3A_483 = arith.index_cast %add3A_477 : i32 to index
        %swap3A_484 = tpu.vector_load %arg5[%swap3A_483] {strides = array<i32>} : memref<4096xi32, #tpu.memory_space<vmem>>, vector<16xi32>,
        %swap3A_485 = vector.shape_cast %swap3A_484 : vector<16xi32> to vector<16xi32>
        %swap3A_486 = vector.shape_cast %add3A_482 : vector<16xi32> to vector<16xi32>
        tpu.vector_store %arg5[%swap3A_483], %swap3A_486 {strides = array<i32>} : memref<4096xi32, #tpu.memory_space<vmem>>, vector<16xi32>,
        %mul3A_487 = arith.constant 128 : i32
        %mul3A_488 = arith.muli %add3A_408, %mul3A_487 : i32
        %add3A_489 = arith.constant 96 : i32
        %add3A_490 = arith.addi %mul3A_488, %add3A_489 : i32
        %get3A_491 = arith.index_cast %add3A_490 : i32 to index
        %get3A_492 = tpu.vector_load %arg5[%get3A_491] {strides = array<i32>} : memref<4096xi32, #tpu.memory_space<vmem>>, vector<16xi32>,
        %get3A_493 = vector.shape_cast %get3A_492 : vector<16xi32> to vector<16xi32>
        %add3A_494 = vector.broadcast %mul3A_20 : i32 to vector<16xi32>
        %add3A_495 = arith.addi %get3A_493, %add3A_494 : vector<16xi32>
        %swap3A_496 = arith.index_cast %add3A_490 : i32 to index
        %swap3A_497 = tpu.vector_load %arg5[%swap3A_496] {strides = array<i32>} : memref<4096xi32, #tpu.memory_space<vmem>>, vector<16xi32>,
        %swap3A_498 = vector.shape_cast %swap3A_497 : vector<16xi32> to vector<16xi32>
        %swap3A_499 = vector.shape_cast %add3A_495 : vector<16xi32> to vector<16xi32>
        tpu.vector_store %arg5[%swap3A_496], %swap3A_499 {strides = array<i32>} : memref<4096xi32, #tpu.memory_space<vmem>>, vector<16xi32>,
        %mul3A_500 = arith.constant 128 : i32
        %mul3A_501 = arith.muli %add3A_408, %mul3A_500 : i32
        %add3A_502 = arith.constant 112 : i32
        %add3A_503 = arith.addi %mul3A_501, %add3A_502 : i32
        %get3A_504 = arith.index_cast %add3A_503 : i32 to index
        %get3A_505 = tpu.vector_load %arg5[%get3A_504] {strides = array<i32>} : memref<4096xi32, #tpu.memory_space<vmem>>, vector<16xi32>,
        %get3A_506 = vector.shape_cast %get3A_505 : vector<16xi32> to vector<16xi32>
        %add3A_507 = vector.broadcast %mul3A_20 : i32 to vector<16xi32>
        %add3A_508 = arith.addi %get3A_506, %add3A_507 : vector<16xi32>
        %swap3A_509 = arith.index_cast %add3A_503 : i32 to index
        %swap3A_510 = tpu.vector_load %arg5[%swap3A_509] {strides = array<i32>} : memref<4096xi32, #tpu.memory_space<vmem>>, vector<16xi32>,
        %swap3A_511 = vector.shape_cast %swap3A_510 : vector<16xi32> to vector<16xi32>
        %swap3A_512 = vector.shape_cast %add3A_508 : vector<16xi32> to vector<16xi32>
        tpu.vector_store %arg5[%swap3A_509], %swap3A_512 {strides = array<i32>} : memref<4096xi32, #tpu.memory_space<vmem>>, vector<16xi32>,
        %add3A_513 = arith.constant 2 : i32
        %add3A_514 = arith.addi %add3A_285, %add3A_513 : i32
        %mul3A_515 = arith.constant 128 : i32
        %mul3A_516 = arith.muli %add3A_514, %mul3A_515 : i32
        %dma_start3A_517 = arith.constant 2 : i32
        %dma_start3A_518 = arith.constant 0 : i32
        %dma_start3A_519 = arith.constant 0 : i32
        %dma_start3A_520 = tpu.memref_slice %arg6[%dma_start3A_517, %dma_start3A_518, %dma_start3A_519] : memref<3x128x256xf32, #tpu.memory_space<vmem>> -> memref<1x128x256xf32, #tpu.memory_space<vmem>>
        %dma_start3A_521 = tpu.memref_squeeze %dma_start3A_520 : memref<1x128x256xf32, #tpu.memory_space<vmem>> -> memref<128x256xf32, #tpu.memory_space<vmem>>
        %dma_start3A_522 = tpu.memref_slice %arg5[%mul3A_516] : memref<4096xi32, #tpu.memory_space<vmem>> -> memref<128xi32, #tpu.memory_space<vmem>>
        %dma_start3A_523 = arith.constant 0 : i32
        %dma_start3A_524 = arith.constant 0 : i32
        %dma_start3A_525 = tpu.memref_slice %arg3[%dma_start3A_523, %dma_start3A_524] : memref<1032x256xf32, #tpu.memory_space<hbm>> -> memref<1032x256xf32, #tpu.memory_space<hbm>>
        tpu.enqueue_indirect_dma source(%dma_start3A_525 : memref<1032x256xf32, #tpu.memory_space<hbm>>) target(%dma_start3A_521 : memref<128x256xf32, #tpu.memory_space<vmem>>) offsets(%dma_start3A_522 : memref<128xi32, #tpu.memory_space<vmem>>) semaphore(%arg9 : memref<!tpu.dma_semaphore, #tpu.memory_space<semaphore_mem>>)
      } else {
      }
      %mul3A_305 = arith.constant 128 : i32
      %mul3A_306 = arith.muli %add3A_285, %mul3A_305 : i32
      %add3A_307 = arith.addi %mul3A_2, %mul3A_306 : i32
      %dma_start3A_308 = arith.constant 0 : i32
      %dma_start3A_309 = arith.constant 0 : i32
      %dma_start3A_310 = arith.constant 0 : i32
      %dma_start3A_311 = tpu.memref_slice %arg6[%dma_start3A_308, %dma_start3A_309, %dma_start3A_310] : memref<3x128x256xf32, #tpu.memory_space<vmem>> -> memref<1x128x256xf32, #tpu.memory_space<vmem>>
      %dma_start3A_312 = tpu.memref_squeeze %dma_start3A_311 : memref<1x128x256xf32, #tpu.memory_space<vmem>> -> memref<128x256xf32, #tpu.memory_space<vmem>>
      %dma_start3A_313 = arith.constant 0 : i32
      %dma_start3A_314 = tpu.memref_slice %arg4[%add3A_307, %dma_start3A_313] : memref<131072x256xf32, #tpu.memory_space<hbm>> -> memref<128x256xf32, #tpu.memory_space<hbm>>
      %dma_start3A_315 = arith.constant 0 : i32
      %dma_start3A_316 = tpu.memref_slice %arg4[%add3A_307, %dma_start3A_315] : memref<131072x256xf32, #tpu.memory_space<hbm>> -> memref<128x256xf32, #tpu.memory_space<hbm>>
      %dma_start3A_317 = arith.constant 0 : i32
      %dma_start3A_318 = arith.constant 0 : i32
      %dma_start3A_319 = tpu.memref_slice %arg6[%dma_start3A_308, %dma_start3A_317, %dma_start3A_318] : memref<3x128x256xf32, #tpu.memory_space<vmem>> -> memref<1x128x256xf32, #tpu.memory_space<vmem>>
      %dma_start3A_320 = tpu.memref_squeeze %dma_start3A_319 : memref<1x128x256xf32, #tpu.memory_space<vmem>> -> memref<128x256xf32, #tpu.memory_space<vmem>>
      tpu.enqueue_dma source(%dma_start3A_320 : memref<128x256xf32, #tpu.memory_space<vmem>>) target(%dma_start3A_316 : memref<128x256xf32, #tpu.memory_space<hbm>>) target_semaphore(%arg10 : memref<!tpu.dma_semaphore, #tpu.memory_space<semaphore_mem>>)
      %mul3A_321 = arith.constant 3 : i32
      %mul3A_322 = arith.muli %mul3A_321, %scan3A_281 : i32
      %add3A_323 = arith.constant 1 : i32
      %add3A_324 = arith.addi %mul3A_322, %add3A_323 : i32
      %mul3A_325 = arith.constant 128 : i32
      %mul3A_326 = arith.muli %add3A_324, %mul3A_325 : i32
      %dma_wait3A_327 = arith.constant 1 : i32
      %dma_wait3A_328 = arith.constant 0 : i32
      %dma_wait3A_329 = arith.constant 0 : i32
      %dma_wait3A_330 = tpu.memref_slice %arg6[%dma_wait3A_327, %dma_wait3A_328, %dma_wait3A_329] : memref<3x128x256xf32, #tpu.memory_space<vmem>> -> memref<1x128x256xf32, #tpu.memory_space<vmem>>
      %dma_wait3A_331 = tpu.memref_squeeze %dma_wait3A_330 : memref<1x128x256xf32, #tpu.memory_space<vmem>> -> memref<128x256xf32, #tpu.memory_space<vmem>>
      %dma_wait3A_332 = tpu.memref_slice %arg5[%mul3A_326] : memref<4096xi32, #tpu.memory_space<vmem>> -> memref<128xi32, #tpu.memory_space<vmem>>
      %dma_wait3A_333 = arith.constant 0 : i32
      %dma_wait3A_334 = arith.constant 0 : i32
      %dma_wait3A_335 = tpu.memref_slice %arg3[%dma_wait3A_333, %dma_wait3A_334] : memref<1032x256xf32, #tpu.memory_space<hbm>> -> memref<1032x256xf32, #tpu.memory_space<hbm>>
      tpu.wait_indirect_dma semaphore(%arg8 : memref<!tpu.dma_semaphore, #tpu.memory_space<semaphore_mem>>) src(%dma_wait3A_335 : memref<1032x256xf32, #tpu.memory_space<hbm>>) dst(%dma_wait3A_331 : memref<128x256xf32, #tpu.memory_space<vmem>>)
      %ge3A_336 = arith.constant 1 : i32
      %ge3A_337 = arith.cmpi sge, %add3A_324, %ge3A_336 : i32
      %convert_element_type3A_338 = arith.extui %ge3A_337 : i1 to i32
      %cond3A_339 = arith.constant 0 : i32
      %cond3A_340 = arith.cmpi ne, %convert_element_type3A_338, %cond3A_339 : i32
      scf.if %cond3A_340 {
        %sub3A_407 = arith.constant 1 : i32
        %sub3A_408 = arith.subi %add3A_324, %sub3A_407 : i32
        %mul3A_409 = arith.constant 128 : i32
        %mul3A_410 = arith.muli %sub3A_408, %mul3A_409 : i32
        %add3A_411 = arith.addi %mul3A_2, %mul3A_410 : i32
        %dma_wait3A_412 = arith.constant 0 : i32
        %dma_wait3A_413 = arith.constant 0 : i32
        %dma_wait3A_414 = arith.constant 0 : i32
        %dma_wait3A_415 = tpu.memref_slice %arg6[%dma_wait3A_412, %dma_wait3A_413, %dma_wait3A_414] : memref<3x128x256xf32, #tpu.memory_space<vmem>> -> memref<1x128x256xf32, #tpu.memory_space<vmem>>
        %dma_wait3A_416 = tpu.memref_squeeze %dma_wait3A_415 : memref<1x128x256xf32, #tpu.memory_space<vmem>> -> memref<128x256xf32, #tpu.memory_space<vmem>>
        %dma_wait3A_417 = arith.constant 0 : i32
        %dma_wait3A_418 = tpu.memref_slice %arg4[%add3A_411, %dma_wait3A_417] : memref<131072x256xf32, #tpu.memory_space<hbm>> -> memref<128x256xf32, #tpu.memory_space<hbm>>
        %dma_wait3A_419 = arith.constant 0 : i32
        %dma_wait3A_420 = tpu.memref_slice %arg4[%add3A_411, %dma_wait3A_419] : memref<131072x256xf32, #tpu.memory_space<hbm>> -> memref<128x256xf32, #tpu.memory_space<hbm>>
        %dma_wait3A_421 = arith.constant 0 : i32
        %dma_wait3A_422 = arith.constant 0 : i32
        %dma_wait3A_423 = tpu.memref_slice %arg6[%dma_wait3A_412, %dma_wait3A_421, %dma_wait3A_422] : memref<3x128x256xf32, #tpu.memory_space<vmem>> -> memref<1x128x256xf32, #tpu.memory_space<vmem>>
        %dma_wait3A_424 = tpu.memref_squeeze %dma_wait3A_423 : memref<1x128x256xf32, #tpu.memory_space<vmem>> -> memref<128x256xf32, #tpu.memory_space<vmem>>
        tpu.wait_dma2 semaphore(%arg10 : memref<!tpu.dma_semaphore, #tpu.memory_space<semaphore_mem>>) src(%dma_wait3A_424 : memref<128x256xf32, #tpu.memory_space<vmem>>) dst(%dma_wait3A_420 : memref<128x256xf32, #tpu.memory_space<hbm>>)
      } else {
      }
      %add3A_341 = arith.constant 2 : i32
      %add3A_342 = arith.addi %add3A_324, %add3A_341 : i32
      %lt3A_343 = arith.constant 32 : i32
      %lt3A_344 = arith.cmpi slt, %add3A_342, %lt3A_343 : i32
      %convert_element_type3A_345 = arith.extui %lt3A_344 : i1 to i32
      %cond3A_346 = arith.constant 0 : i32
      %cond3A_347 = arith.cmpi ne, %convert_element_type3A_345, %cond3A_346 : i32
      scf.if %cond3A_347 {
        %add3A_407 = arith.constant 2 : i32
        %add3A_408 = arith.addi %add3A_324, %add3A_407 : i32
        %mul3A_409 = arith.constant 128 : i32
        %mul3A_410 = arith.muli %add3A_408, %mul3A_409 : i32
        %add3A_411 = arith.constant 0 : i32
        %add3A_412 = arith.addi %mul3A_410, %add3A_411 : i32
        %get3A_413 = arith.index_cast %add3A_412 : i32 to index
        %get3A_414 = tpu.vector_load %arg5[%get3A_413] {strides = array<i32>} : memref<4096xi32, #tpu.memory_space<vmem>>, vector<16xi32>,
        %get3A_415 = vector.shape_cast %get3A_414 : vector<16xi32> to vector<16xi32>
        %add3A_416 = vector.broadcast %mul3A_20 : i32 to vector<16xi32>
        %add3A_417 = arith.addi %get3A_415, %add3A_416 : vector<16xi32>
        %swap3A_418 = arith.index_cast %add3A_412 : i32 to index
        %swap3A_419 = tpu.vector_load %arg5[%swap3A_418] {strides = array<i32>} : memref<4096xi32, #tpu.memory_space<vmem>>, vector<16xi32>,
        %swap3A_420 = vector.shape_cast %swap3A_419 : vector<16xi32> to vector<16xi32>
        %swap3A_421 = vector.shape_cast %add3A_417 : vector<16xi32> to vector<16xi32>
        tpu.vector_store %arg5[%swap3A_418], %swap3A_421 {strides = array<i32>} : memref<4096xi32, #tpu.memory_space<vmem>>, vector<16xi32>,
        %mul3A_422 = arith.constant 128 : i32
        %mul3A_423 = arith.muli %add3A_408, %mul3A_422 : i32
        %add3A_424 = arith.constant 16 : i32
        %add3A_425 = arith.addi %mul3A_423, %add3A_424 : i32
        %get3A_426 = arith.index_cast %add3A_425 : i32 to index
        %get3A_427 = tpu.vector_load %arg5[%get3A_426] {strides = array<i32>} : memref<4096xi32, #tpu.memory_space<vmem>>, vector<16xi32>,
        %get3A_428 = vector.shape_cast %get3A_427 : vector<16xi32> to vector<16xi32>
        %add3A_429 = vector.broadcast %mul3A_20 : i32 to vector<16xi32>
        %add3A_430 = arith.addi %get3A_428, %add3A_429 : vector<16xi32>
        %swap3A_431 = arith.index_cast %add3A_425 : i32 to index
        %swap3A_432 = tpu.vector_load %arg5[%swap3A_431] {strides = array<i32>} : memref<4096xi32, #tpu.memory_space<vmem>>, vector<16xi32>,
        %swap3A_433 = vector.shape_cast %swap3A_432 : vector<16xi32> to vector<16xi32>
        %swap3A_434 = vector.shape_cast %add3A_430 : vector<16xi32> to vector<16xi32>
        tpu.vector_store %arg5[%swap3A_431], %swap3A_434 {strides = array<i32>} : memref<4096xi32, #tpu.memory_space<vmem>>, vector<16xi32>,
        %mul3A_435 = arith.constant 128 : i32
        %mul3A_436 = arith.muli %add3A_408, %mul3A_435 : i32
        %add3A_437 = arith.constant 32 : i32
        %add3A_438 = arith.addi %mul3A_436, %add3A_437 : i32
        %get3A_439 = arith.index_cast %add3A_438 : i32 to index
        %get3A_440 = tpu.vector_load %arg5[%get3A_439] {strides = array<i32>} : memref<4096xi32, #tpu.memory_space<vmem>>, vector<16xi32>,
        %get3A_441 = vector.shape_cast %get3A_440 : vector<16xi32> to vector<16xi32>
        %add3A_442 = vector.broadcast %mul3A_20 : i32 to vector<16xi32>
        %add3A_443 = arith.addi %get3A_441, %add3A_442 : vector<16xi32>
        %swap3A_444 = arith.index_cast %add3A_438 : i32 to index
        %swap3A_445 = tpu.vector_load %arg5[%swap3A_444] {strides = array<i32>} : memref<4096xi32, #tpu.memory_space<vmem>>, vector<16xi32>,
        %swap3A_446 = vector.shape_cast %swap3A_445 : vector<16xi32> to vector<16xi32>
        %swap3A_447 = vector.shape_cast %add3A_443 : vector<16xi32> to vector<16xi32>
        tpu.vector_store %arg5[%swap3A_444], %swap3A_447 {strides = array<i32>} : memref<4096xi32, #tpu.memory_space<vmem>>, vector<16xi32>,
        %mul3A_448 = arith.constant 128 : i32
        %mul3A_449 = arith.muli %add3A_408, %mul3A_448 : i32
        %add3A_450 = arith.constant 48 : i32
        %add3A_451 = arith.addi %mul3A_449, %add3A_450 : i32
        %get3A_452 = arith.index_cast %add3A_451 : i32 to index
        %get3A_453 = tpu.vector_load %arg5[%get3A_452] {strides = array<i32>} : memref<4096xi32, #tpu.memory_space<vmem>>, vector<16xi32>,
        %get3A_454 = vector.shape_cast %get3A_453 : vector<16xi32> to vector<16xi32>
        %add3A_455 = vector.broadcast %mul3A_20 : i32 to vector<16xi32>
        %add3A_456 = arith.addi %get3A_454, %add3A_455 : vector<16xi32>
        %swap3A_457 = arith.index_cast %add3A_451 : i32 to index
        %swap3A_458 = tpu.vector_load %arg5[%swap3A_457] {strides = array<i32>} : memref<4096xi32, #tpu.memory_space<vmem>>, vector<16xi32>,
        %swap3A_459 = vector.shape_cast %swap3A_458 : vector<16xi32> to vector<16xi32>
        %swap3A_460 = vector.shape_cast %add3A_456 : vector<16xi32> to vector<16xi32>
        tpu.vector_store %arg5[%swap3A_457], %swap3A_460 {strides = array<i32>} : memref<4096xi32, #tpu.memory_space<vmem>>, vector<16xi32>,
        %mul3A_461 = arith.constant 128 : i32
        %mul3A_462 = arith.muli %add3A_408, %mul3A_461 : i32
        %add3A_463 = arith.constant 64 : i32
        %add3A_464 = arith.addi %mul3A_462, %add3A_463 : i32
        %get3A_465 = arith.index_cast %add3A_464 : i32 to index
        %get3A_466 = tpu.vector_load %arg5[%get3A_465] {strides = array<i32>} : memref<4096xi32, #tpu.memory_space<vmem>>, vector<16xi32>,
        %get3A_467 = vector.shape_cast %get3A_466 : vector<16xi32> to vector<16xi32>
        %add3A_468 = vector.broadcast %mul3A_20 : i32 to vector<16xi32>
        %add3A_469 = arith.addi %get3A_467, %add3A_468 : vector<16xi32>
        %swap3A_470 = arith.index_cast %add3A_464 : i32 to index
        %swap3A_471 = tpu.vector_load %arg5[%swap3A_470] {strides = array<i32>} : memref<4096xi32, #tpu.memory_space<vmem>>, vector<16xi32>,
        %swap3A_472 = vector.shape_cast %swap3A_471 : vector<16xi32> to vector<16xi32>
        %swap3A_473 = vector.shape_cast %add3A_469 : vector<16xi32> to vector<16xi32>
        tpu.vector_store %arg5[%swap3A_470], %swap3A_473 {strides = array<i32>} : memref<4096xi32, #tpu.memory_space<vmem>>, vector<16xi32>,
        %mul3A_474 = arith.constant 128 : i32
        %mul3A_475 = arith.muli %add3A_408, %mul3A_474 : i32
        %add3A_476 = arith.constant 80 : i32
        %add3A_477 = arith.addi %mul3A_475, %add3A_476 : i32
        %get3A_478 = arith.index_cast %add3A_477 : i32 to index
        %get3A_479 = tpu.vector_load %arg5[%get3A_478] {strides = array<i32>} : memref<4096xi32, #tpu.memory_space<vmem>>, vector<16xi32>,
        %get3A_480 = vector.shape_cast %get3A_479 : vector<16xi32> to vector<16xi32>
        %add3A_481 = vector.broadcast %mul3A_20 : i32 to vector<16xi32>
        %add3A_482 = arith.addi %get3A_480, %add3A_481 : vector<16xi32>
        %swap3A_483 = arith.index_cast %add3A_477 : i32 to index
        %swap3A_484 = tpu.vector_load %arg5[%swap3A_483] {strides = array<i32>} : memref<4096xi32, #tpu.memory_space<vmem>>, vector<16xi32>,
        %swap3A_485 = vector.shape_cast %swap3A_484 : vector<16xi32> to vector<16xi32>
        %swap3A_486 = vector.shape_cast %add3A_482 : vector<16xi32> to vector<16xi32>
        tpu.vector_store %arg5[%swap3A_483], %swap3A_486 {strides = array<i32>} : memref<4096xi32, #tpu.memory_space<vmem>>, vector<16xi32>,
        %mul3A_487 = arith.constant 128 : i32
        %mul3A_488 = arith.muli %add3A_408, %mul3A_487 : i32
        %add3A_489 = arith.constant 96 : i32
        %add3A_490 = arith.addi %mul3A_488, %add3A_489 : i32
        %get3A_491 = arith.index_cast %add3A_490 : i32 to index
        %get3A_492 = tpu.vector_load %arg5[%get3A_491] {strides = array<i32>} : memref<4096xi32, #tpu.memory_space<vmem>>, vector<16xi32>,
        %get3A_493 = vector.shape_cast %get3A_492 : vector<16xi32> to vector<16xi32>
        %add3A_494 = vector.broadcast %mul3A_20 : i32 to vector<16xi32>
        %add3A_495 = arith.addi %get3A_493, %add3A_494 : vector<16xi32>
        %swap3A_496 = arith.index_cast %add3A_490 : i32 to index
        %swap3A_497 = tpu.vector_load %arg5[%swap3A_496] {strides = array<i32>} : memref<4096xi32, #tpu.memory_space<vmem>>, vector<16xi32>,
        %swap3A_498 = vector.shape_cast %swap3A_497 : vector<16xi32> to vector<16xi32>
        %swap3A_499 = vector.shape_cast %add3A_495 : vector<16xi32> to vector<16xi32>
        tpu.vector_store %arg5[%swap3A_496], %swap3A_499 {strides = array<i32>} : memref<4096xi32, #tpu.memory_space<vmem>>, vector<16xi32>,
        %mul3A_500 = arith.constant 128 : i32
        %mul3A_501 = arith.muli %add3A_408, %mul3A_500 : i32
        %add3A_502 = arith.constant 112 : i32
        %add3A_503 = arith.addi %mul3A_501, %add3A_502 : i32
        %get3A_504 = arith.index_cast %add3A_503 : i32 to index
        %get3A_505 = tpu.vector_load %arg5[%get3A_504] {strides = array<i32>} : memref<4096xi32, #tpu.memory_space<vmem>>, vector<16xi32>,
        %get3A_506 = vector.shape_cast %get3A_505 : vector<16xi32> to vector<16xi32>
        %add3A_507 = vector.broadcast %mul3A_20 : i32 to vector<16xi32>
        %add3A_508 = arith.addi %get3A_506, %add3A_507 : vector<16xi32>
        %swap3A_509 = arith.index_cast %add3A_503 : i32 to index
        %swap3A_510 = tpu.vector_load %arg5[%swap3A_509] {strides = array<i32>} : memref<4096xi32, #tpu.memory_space<vmem>>, vector<16xi32>,
        %swap3A_511 = vector.shape_cast %swap3A_510 : vector<16xi32> to vector<16xi32>
        %swap3A_512 = vector.shape_cast %add3A_508 : vector<16xi32> to vector<16xi32>
        tpu.vector_store %arg5[%swap3A_509], %swap3A_512 {strides = array<i32>} : memref<4096xi32, #tpu.memory_space<vmem>>, vector<16xi32>,
        %add3A_513 = arith.constant 2 : i32
        %add3A_514 = arith.addi %add3A_324, %add3A_513 : i32
        %mul3A_515 = arith.constant 128 : i32
        %mul3A_516 = arith.muli %add3A_514, %mul3A_515 : i32
        %dma_start3A_517 = arith.constant 0 : i32
        %dma_start3A_518 = arith.constant 0 : i32
        %dma_start3A_519 = arith.constant 0 : i32
        %dma_start3A_520 = tpu.memref_slice %arg6[%dma_start3A_517, %dma_start3A_518, %dma_start3A_519] : memref<3x128x256xf32, #tpu.memory_space<vmem>> -> memref<1x128x256xf32, #tpu.memory_space<vmem>>
        %dma_start3A_521 = tpu.memref_squeeze %dma_start3A_520 : memref<1x128x256xf32, #tpu.memory_space<vmem>> -> memref<128x256xf32, #tpu.memory_space<vmem>>
        %dma_start3A_522 = tpu.memref_slice %arg5[%mul3A_516] : memref<4096xi32, #tpu.memory_space<vmem>> -> memref<128xi32, #tpu.memory_space<vmem>>
        %dma_start3A_523 = arith.constant 0 : i32
        %dma_start3A_524 = arith.constant 0 : i32
        %dma_start3A_525 = tpu.memref_slice %arg3[%dma_start3A_523, %dma_start3A_524] : memref<1032x256xf32, #tpu.memory_space<hbm>> -> memref<1032x256xf32, #tpu.memory_space<hbm>>
        tpu.enqueue_indirect_dma source(%dma_start3A_525 : memref<1032x256xf32, #tpu.memory_space<hbm>>) target(%dma_start3A_521 : memref<128x256xf32, #tpu.memory_space<vmem>>) offsets(%dma_start3A_522 : memref<128xi32, #tpu.memory_space<vmem>>) semaphore(%arg7 : memref<!tpu.dma_semaphore, #tpu.memory_space<semaphore_mem>>)
      } else {
      }
      %mul3A_348 = arith.constant 128 : i32
      %mul3A_349 = arith.muli %add3A_324, %mul3A_348 : i32
      %add3A_350 = arith.addi %mul3A_2, %mul3A_349 : i32
      %dma_start3A_351 = arith.constant 1 : i32
      %dma_start3A_352 = arith.constant 0 : i32
      %dma_start3A_353 = arith.constant 0 : i32
      %dma_start3A_354 = tpu.memref_slice %arg6[%dma_start3A_351, %dma_start3A_352, %dma_start3A_353] : memref<3x128x256xf32, #tpu.memory_space<vmem>> -> memref<1x128x256xf32, #tpu.memory_space<vmem>>
      %dma_start3A_355 = tpu.memref_squeeze %dma_start3A_354 : memref<1x128x256xf32, #tpu.memory_space<vmem>> -> memref<128x256xf32, #tpu.memory_space<vmem>>
      %dma_start3A_356 = arith.constant 0 : i32
      %dma_start3A_357 = tpu.memref_slice %arg4[%add3A_350, %dma_start3A_356] : memref<131072x256xf32, #tpu.memory_space<hbm>> -> memref<128x256xf32, #tpu.memory_space<hbm>>
      %dma_start3A_358 = arith.constant 0 : i32
      %dma_start3A_359 = tpu.memref_slice %arg4[%add3A_350, %dma_start3A_358] : memref<131072x256xf32, #tpu.memory_space<hbm>> -> memref<128x256xf32, #tpu.memory_space<hbm>>
      %dma_start3A_360 = arith.constant 0 : i32
      %dma_start3A_361 = arith.constant 0 : i32
      %dma_start3A_362 = tpu.memref_slice %arg6[%dma_start3A_351, %dma_start3A_360, %dma_start3A_361] : memref<3x128x256xf32, #tpu.memory_space<vmem>> -> memref<1x128x256xf32, #tpu.memory_space<vmem>>
      %dma_start3A_363 = tpu.memref_squeeze %dma_start3A_362 : memref<1x128x256xf32, #tpu.memory_space<vmem>> -> memref<128x256xf32, #tpu.memory_space<vmem>>
      tpu.enqueue_dma source(%dma_start3A_363 : memref<128x256xf32, #tpu.memory_space<vmem>>) target(%dma_start3A_359 : memref<128x256xf32, #tpu.memory_space<hbm>>) target_semaphore(%arg11 : memref<!tpu.dma_semaphore, #tpu.memory_space<semaphore_mem>>)
      %mul3A_364 = arith.constant 3 : i32
      %mul3A_365 = arith.muli %mul3A_364, %scan3A_281 : i32
      %add3A_366 = arith.constant 2 : i32
      %add3A_367 = arith.addi %mul3A_365, %add3A_366 : i32
      %mul3A_368 = arith.constant 128 : i32
      %mul3A_369 = arith.muli %add3A_367, %mul3A_368 : i32
      %dma_wait3A_370 = arith.constant 2 : i32
      %dma_wait3A_371 = arith.constant 0 : i32
      %dma_wait3A_372 = arith.constant 0 : i32
      %dma_wait3A_373 = tpu.memref_slice %arg6[%dma_wait3A_370, %dma_wait3A_371, %dma_wait3A_372] : memref<3x128x256xf32, #tpu.memory_space<vmem>> -> memref<1x128x256xf32, #tpu.memory_space<vmem>>
      %dma_wait3A_374 = tpu.memref_squeeze %dma_wait3A_373 : memref<1x128x256xf32, #tpu.memory_space<vmem>> -> memref<128x256xf32, #tpu.memory_space<vmem>>
      %dma_wait3A_375 = tpu.memref_slice %arg5[%mul3A_369] : memref<4096xi32, #tpu.memory_space<vmem>> -> memref<128xi32, #tpu.memory_space<vmem>>
      %dma_wait3A_376 = arith.constant 0 : i32
      %dma_wait3A_377 = arith.constant 0 : i32
      %dma_wait3A_378 = tpu.memref_slice %arg3[%dma_wait3A_376, %dma_wait3A_377] : memref<1032x256xf32, #tpu.memory_space<hbm>> -> memref<1032x256xf32, #tpu.memory_space<hbm>>
      tpu.wait_indirect_dma semaphore(%arg9 : memref<!tpu.dma_semaphore, #tpu.memory_space<semaphore_mem>>) src(%dma_wait3A_378 : memref<1032x256xf32, #tpu.memory_space<hbm>>) dst(%dma_wait3A_374 : memref<128x256xf32, #tpu.memory_space<vmem>>)
      %ge3A_379 = arith.constant 1 : i32
      %ge3A_380 = arith.cmpi sge, %add3A_367, %ge3A_379 : i32
      %convert_element_type3A_381 = arith.extui %ge3A_380 : i1 to i32
      %cond3A_382 = arith.constant 0 : i32
      %cond3A_383 = arith.cmpi ne, %convert_element_type3A_381, %cond3A_382 : i32
      scf.if %cond3A_383 {
        %sub3A_407 = arith.constant 1 : i32
        %sub3A_408 = arith.subi %add3A_367, %sub3A_407 : i32
        %mul3A_409 = arith.constant 128 : i32
        %mul3A_410 = arith.muli %sub3A_408, %mul3A_409 : i32
        %add3A_411 = arith.addi %mul3A_2, %mul3A_410 : i32
        %dma_wait3A_412 = arith.constant 1 : i32
        %dma_wait3A_413 = arith.constant 0 : i32
        %dma_wait3A_414 = arith.constant 0 : i32
        %dma_wait3A_415 = tpu.memref_slice %arg6[%dma_wait3A_412, %dma_wait3A_413, %dma_wait3A_414] : memref<3x128x256xf32, #tpu.memory_space<vmem>> -> memref<1x128x256xf32, #tpu.memory_space<vmem>>
        %dma_wait3A_416 = tpu.memref_squeeze %dma_wait3A_415 : memref<1x128x256xf32, #tpu.memory_space<vmem>> -> memref<128x256xf32, #tpu.memory_space<vmem>>
        %dma_wait3A_417 = arith.constant 0 : i32
        %dma_wait3A_418 = tpu.memref_slice %arg4[%add3A_411, %dma_wait3A_417] : memref<131072x256xf32, #tpu.memory_space<hbm>> -> memref<128x256xf32, #tpu.memory_space<hbm>>
        %dma_wait3A_419 = arith.constant 0 : i32
        %dma_wait3A_420 = tpu.memref_slice %arg4[%add3A_411, %dma_wait3A_419] : memref<131072x256xf32, #tpu.memory_space<hbm>> -> memref<128x256xf32, #tpu.memory_space<hbm>>
        %dma_wait3A_421 = arith.constant 0 : i32
        %dma_wait3A_422 = arith.constant 0 : i32
        %dma_wait3A_423 = tpu.memref_slice %arg6[%dma_wait3A_412, %dma_wait3A_421, %dma_wait3A_422] : memref<3x128x256xf32, #tpu.memory_space<vmem>> -> memref<1x128x256xf32, #tpu.memory_space<vmem>>
        %dma_wait3A_424 = tpu.memref_squeeze %dma_wait3A_423 : memref<1x128x256xf32, #tpu.memory_space<vmem>> -> memref<128x256xf32, #tpu.memory_space<vmem>>
        tpu.wait_dma2 semaphore(%arg11 : memref<!tpu.dma_semaphore, #tpu.memory_space<semaphore_mem>>) src(%dma_wait3A_424 : memref<128x256xf32, #tpu.memory_space<vmem>>) dst(%dma_wait3A_420 : memref<128x256xf32, #tpu.memory_space<hbm>>)
      } else {
      }
      %add3A_384 = arith.constant 2 : i32
      %add3A_385 = arith.addi %add3A_367, %add3A_384 : i32
      %lt3A_386 = arith.constant 32 : i32
      %lt3A_387 = arith.cmpi slt, %add3A_385, %lt3A_386 : i32
      %convert_element_type3A_388 = arith.extui %lt3A_387 : i1 to i32
      %cond3A_389 = arith.constant 0 : i32
      %cond3A_390 = arith.cmpi ne, %convert_element_type3A_388, %cond3A_389 : i32
      scf.if %cond3A_390 {
        %add3A_407 = arith.constant 2 : i32
        %add3A_408 = arith.addi %add3A_367, %add3A_407 : i32
        %mul3A_409 = arith.constant 128 : i32
        %mul3A_410 = arith.muli %add3A_408, %mul3A_409 : i32
        %add3A_411 = arith.constant 0 : i32
        %add3A_412 = arith.addi %mul3A_410, %add3A_411 : i32
        %get3A_413 = arith.index_cast %add3A_412 : i32 to index
        %get3A_414 = tpu.vector_load %arg5[%get3A_413] {strides = array<i32>} : memref<4096xi32, #tpu.memory_space<vmem>>, vector<16xi32>,
        %get3A_415 = vector.shape_cast %get3A_414 : vector<16xi32> to vector<16xi32>
        %add3A_416 = vector.broadcast %mul3A_20 : i32 to vector<16xi32>
        %add3A_417 = arith.addi %get3A_415, %add3A_416 : vector<16xi32>
        %swap3A_418 = arith.index_cast %add3A_412 : i32 to index
        %swap3A_419 = tpu.vector_load %arg5[%swap3A_418] {strides = array<i32>} : memref<4096xi32, #tpu.memory_space<vmem>>, vector<16xi32>,
        %swap3A_420 = vector.shape_cast %swap3A_419 : vector<16xi32> to vector<16xi32>
        %swap3A_421 = vector.shape_cast %add3A_417 : vector<16xi32> to vector<16xi32>
        tpu.vector_store %arg5[%swap3A_418], %swap3A_421 {strides = array<i32>} : memref<4096xi32, #tpu.memory_space<vmem>>, vector<16xi32>,
        %mul3A_422 = arith.constant 128 : i32
        %mul3A_423 = arith.muli %add3A_408, %mul3A_422 : i32
        %add3A_424 = arith.constant 16 : i32
        %add3A_425 = arith.addi %mul3A_423, %add3A_424 : i32
        %get3A_426 = arith.index_cast %add3A_425 : i32 to index
        %get3A_427 = tpu.vector_load %arg5[%get3A_426] {strides = array<i32>} : memref<4096xi32, #tpu.memory_space<vmem>>, vector<16xi32>,
        %get3A_428 = vector.shape_cast %get3A_427 : vector<16xi32> to vector<16xi32>
        %add3A_429 = vector.broadcast %mul3A_20 : i32 to vector<16xi32>
        %add3A_430 = arith.addi %get3A_428, %add3A_429 : vector<16xi32>
        %swap3A_431 = arith.index_cast %add3A_425 : i32 to index
        %swap3A_432 = tpu.vector_load %arg5[%swap3A_431] {strides = array<i32>} : memref<4096xi32, #tpu.memory_space<vmem>>, vector<16xi32>,
        %swap3A_433 = vector.shape_cast %swap3A_432 : vector<16xi32> to vector<16xi32>
        %swap3A_434 = vector.shape_cast %add3A_430 : vector<16xi32> to vector<16xi32>
        tpu.vector_store %arg5[%swap3A_431], %swap3A_434 {strides = array<i32>} : memref<4096xi32, #tpu.memory_space<vmem>>, vector<16xi32>,
        %mul3A_435 = arith.constant 128 : i32
        %mul3A_436 = arith.muli %add3A_408, %mul3A_435 : i32
        %add3A_437 = arith.constant 32 : i32
        %add3A_438 = arith.addi %mul3A_436, %add3A_437 : i32
        %get3A_439 = arith.index_cast %add3A_438 : i32 to index
        %get3A_440 = tpu.vector_load %arg5[%get3A_439] {strides = array<i32>} : memref<4096xi32, #tpu.memory_space<vmem>>, vector<16xi32>,
        %get3A_441 = vector.shape_cast %get3A_440 : vector<16xi32> to vector<16xi32>
        %add3A_442 = vector.broadcast %mul3A_20 : i32 to vector<16xi32>
        %add3A_443 = arith.addi %get3A_441, %add3A_442 : vector<16xi32>
        %swap3A_444 = arith.index_cast %add3A_438 : i32 to index
        %swap3A_445 = tpu.vector_load %arg5[%swap3A_444] {strides = array<i32>} : memref<4096xi32, #tpu.memory_space<vmem>>, vector<16xi32>,
        %swap3A_446 = vector.shape_cast %swap3A_445 : vector<16xi32> to vector<16xi32>
        %swap3A_447 = vector.shape_cast %add3A_443 : vector<16xi32> to vector<16xi32>
        tpu.vector_store %arg5[%swap3A_444], %swap3A_447 {strides = array<i32>} : memref<4096xi32, #tpu.memory_space<vmem>>, vector<16xi32>,
        %mul3A_448 = arith.constant 128 : i32
        %mul3A_449 = arith.muli %add3A_408, %mul3A_448 : i32
        %add3A_450 = arith.constant 48 : i32
        %add3A_451 = arith.addi %mul3A_449, %add3A_450 : i32
        %get3A_452 = arith.index_cast %add3A_451 : i32 to index
        %get3A_453 = tpu.vector_load %arg5[%get3A_452] {strides = array<i32>} : memref<4096xi32, #tpu.memory_space<vmem>>, vector<16xi32>,
        %get3A_454 = vector.shape_cast %get3A_453 : vector<16xi32> to vector<16xi32>
        %add3A_455 = vector.broadcast %mul3A_20 : i32 to vector<16xi32>
        %add3A_456 = arith.addi %get3A_454, %add3A_455 : vector<16xi32>
        %swap3A_457 = arith.index_cast %add3A_451 : i32 to index
        %swap3A_458 = tpu.vector_load %arg5[%swap3A_457] {strides = array<i32>} : memref<4096xi32, #tpu.memory_space<vmem>>, vector<16xi32>,
        %swap3A_459 = vector.shape_cast %swap3A_458 : vector<16xi32> to vector<16xi32>
        %swap3A_460 = vector.shape_cast %add3A_456 : vector<16xi32> to vector<16xi32>
        tpu.vector_store %arg5[%swap3A_457], %swap3A_460 {strides = array<i32>} : memref<4096xi32, #tpu.memory_space<vmem>>, vector<16xi32>,
        %mul3A_461 = arith.constant 128 : i32
        %mul3A_462 = arith.muli %add3A_408, %mul3A_461 : i32
        %add3A_463 = arith.constant 64 : i32
        %add3A_464 = arith.addi %mul3A_462, %add3A_463 : i32
        %get3A_465 = arith.index_cast %add3A_464 : i32 to index
        %get3A_466 = tpu.vector_load %arg5[%get3A_465] {strides = array<i32>} : memref<4096xi32, #tpu.memory_space<vmem>>, vector<16xi32>,
        %get3A_467 = vector.shape_cast %get3A_466 : vector<16xi32> to vector<16xi32>
        %add3A_468 = vector.broadcast %mul3A_20 : i32 to vector<16xi32>
        %add3A_469 = arith.addi %get3A_467, %add3A_468 : vector<16xi32>
        %swap3A_470 = arith.index_cast %add3A_464 : i32 to index
        %swap3A_471 = tpu.vector_load %arg5[%swap3A_470] {strides = array<i32>} : memref<4096xi32, #tpu.memory_space<vmem>>, vector<16xi32>,
        %swap3A_472 = vector.shape_cast %swap3A_471 : vector<16xi32> to vector<16xi32>
        %swap3A_473 = vector.shape_cast %add3A_469 : vector<16xi32> to vector<16xi32>
        tpu.vector_store %arg5[%swap3A_470], %swap3A_473 {strides = array<i32>} : memref<4096xi32, #tpu.memory_space<vmem>>, vector<16xi32>,
        %mul3A_474 = arith.constant 128 : i32
        %mul3A_475 = arith.muli %add3A_408, %mul3A_474 : i32
        %add3A_476 = arith.constant 80 : i32
        %add3A_477 = arith.addi %mul3A_475, %add3A_476 : i32
        %get3A_478 = arith.index_cast %add3A_477 : i32 to index
        %get3A_479 = tpu.vector_load %arg5[%get3A_478] {strides = array<i32>} : memref<4096xi32, #tpu.memory_space<vmem>>, vector<16xi32>,
        %get3A_480 = vector.shape_cast %get3A_479 : vector<16xi32> to vector<16xi32>
        %add3A_481 = vector.broadcast %mul3A_20 : i32 to vector<16xi32>
        %add3A_482 = arith.addi %get3A_480, %add3A_481 : vector<16xi32>
        %swap3A_483 = arith.index_cast %add3A_477 : i32 to index
        %swap3A_484 = tpu.vector_load %arg5[%swap3A_483] {strides = array<i32>} : memref<4096xi32, #tpu.memory_space<vmem>>, vector<16xi32>,
        %swap3A_485 = vector.shape_cast %swap3A_484 : vector<16xi32> to vector<16xi32>
        %swap3A_486 = vector.shape_cast %add3A_482 : vector<16xi32> to vector<16xi32>
        tpu.vector_store %arg5[%swap3A_483], %swap3A_486 {strides = array<i32>} : memref<4096xi32, #tpu.memory_space<vmem>>, vector<16xi32>,
        %mul3A_487 = arith.constant 128 : i32
        %mul3A_488 = arith.muli %add3A_408, %mul3A_487 : i32
        %add3A_489 = arith.constant 96 : i32
        %add3A_490 = arith.addi %mul3A_488, %add3A_489 : i32
        %get3A_491 = arith.index_cast %add3A_490 : i32 to index
        %get3A_492 = tpu.vector_load %arg5[%get3A_491] {strides = array<i32>} : memref<4096xi32, #tpu.memory_space<vmem>>, vector<16xi32>,
        %get3A_493 = vector.shape_cast %get3A_492 : vector<16xi32> to vector<16xi32>
        %add3A_494 = vector.broadcast %mul3A_20 : i32 to vector<16xi32>
        %add3A_495 = arith.addi %get3A_493, %add3A_494 : vector<16xi32>
        %swap3A_496 = arith.index_cast %add3A_490 : i32 to index
        %swap3A_497 = tpu.vector_load %arg5[%swap3A_496] {strides = array<i32>} : memref<4096xi32, #tpu.memory_space<vmem>>, vector<16xi32>,
        %swap3A_498 = vector.shape_cast %swap3A_497 : vector<16xi32> to vector<16xi32>
        %swap3A_499 = vector.shape_cast %add3A_495 : vector<16xi32> to vector<16xi32>
        tpu.vector_store %arg5[%swap3A_496], %swap3A_499 {strides = array<i32>} : memref<4096xi32, #tpu.memory_space<vmem>>, vector<16xi32>,
        %mul3A_500 = arith.constant 128 : i32
        %mul3A_501 = arith.muli %add3A_408, %mul3A_500 : i32
        %add3A_502 = arith.constant 112 : i32
        %add3A_503 = arith.addi %mul3A_501, %add3A_502 : i32
        %get3A_504 = arith.index_cast %add3A_503 : i32 to index
        %get3A_505 = tpu.vector_load %arg5[%get3A_504] {strides = array<i32>} : memref<4096xi32, #tpu.memory_space<vmem>>, vector<16xi32>,
        %get3A_506 = vector.shape_cast %get3A_505 : vector<16xi32> to vector<16xi32>
        %add3A_507 = vector.broadcast %mul3A_20 : i32 to vector<16xi32>
        %add3A_508 = arith.addi %get3A_506, %add3A_507 : vector<16xi32>
        %swap3A_509 = arith.index_cast %add3A_503 : i32 to index
        %swap3A_510 = tpu.vector_load %arg5[%swap3A_509] {strides = array<i32>} : memref<4096xi32, #tpu.memory_space<vmem>>, vector<16xi32>,
        %swap3A_511 = vector.shape_cast %swap3A_510 : vector<16xi32> to vector<16xi32>
        %swap3A_512 = vector.shape_cast %add3A_508 : vector<16xi32> to vector<16xi32>
        tpu.vector_store %arg5[%swap3A_509], %swap3A_512 {strides = array<i32>} : memref<4096xi32, #tpu.memory_space<vmem>>, vector<16xi32>,
        %add3A_513 = arith.constant 2 : i32
        %add3A_514 = arith.addi %add3A_367, %add3A_513 : i32
        %mul3A_515 = arith.constant 128 : i32
        %mul3A_516 = arith.muli %add3A_514, %mul3A_515 : i32
        %dma_start3A_517 = arith.constant 1 : i32
        %dma_start3A_518 = arith.constant 0 : i32
        %dma_start3A_519 = arith.constant 0 : i32
        %dma_start3A_520 = tpu.memref_slice %arg6[%dma_start3A_517, %dma_start3A_518, %dma_start3A_519] : memref<3x128x256xf32, #tpu.memory_space<vmem>> -> memref<1x128x256xf32, #tpu.memory_space<vmem>>
        %dma_start3A_521 = tpu.memref_squeeze %dma_start3A_520 : memref<1x128x256xf32, #tpu.memory_space<vmem>> -> memref<128x256xf32, #tpu.memory_space<vmem>>
        %dma_start3A_522 = tpu.memref_slice %arg5[%mul3A_516] : memref<4096xi32, #tpu.memory_space<vmem>> -> memref<128xi32, #tpu.memory_space<vmem>>
        %dma_start3A_523 = arith.constant 0 : i32
        %dma_start3A_524 = arith.constant 0 : i32
        %dma_start3A_525 = tpu.memref_slice %arg3[%dma_start3A_523, %dma_start3A_524] : memref<1032x256xf32, #tpu.memory_space<hbm>> -> memref<1032x256xf32, #tpu.memory_space<hbm>>
        tpu.enqueue_indirect_dma source(%dma_start3A_525 : memref<1032x256xf32, #tpu.memory_space<hbm>>) target(%dma_start3A_521 : memref<128x256xf32, #tpu.memory_space<vmem>>) offsets(%dma_start3A_522 : memref<128xi32, #tpu.memory_space<vmem>>) semaphore(%arg8 : memref<!tpu.dma_semaphore, #tpu.memory_space<semaphore_mem>>)
      } else {
      }
      %mul3A_391 = arith.constant 128 : i32
      %mul3A_392 = arith.muli %add3A_367, %mul3A_391 : i32
      %add3A_393 = arith.addi %mul3A_2, %mul3A_392 : i32
      %dma_start3A_394 = arith.constant 2 : i32
      %dma_start3A_395 = arith.constant 0 : i32
      %dma_start3A_396 = arith.constant 0 : i32
      %dma_start3A_397 = tpu.memref_slice %arg6[%dma_start3A_394, %dma_start3A_395, %dma_start3A_396] : memref<3x128x256xf32, #tpu.memory_space<vmem>> -> memref<1x128x256xf32, #tpu.memory_space<vmem>>
      %dma_start3A_398 = tpu.memref_squeeze %dma_start3A_397 : memref<1x128x256xf32, #tpu.memory_space<vmem>> -> memref<128x256xf32, #tpu.memory_space<vmem>>
      %dma_start3A_399 = arith.constant 0 : i32
      %dma_start3A_400 = tpu.memref_slice %arg4[%add3A_393, %dma_start3A_399] : memref<131072x256xf32, #tpu.memory_space<hbm>> -> memref<128x256xf32, #tpu.memory_space<hbm>>
      %dma_start3A_401 = arith.constant 0 : i32
      %dma_start3A_402 = tpu.memref_slice %arg4[%add3A_393, %dma_start3A_401] : memref<131072x256xf32, #tpu.memory_space<hbm>> -> memref<128x256xf32, #tpu.memory_space<hbm>>
      %dma_start3A_403 = arith.constant 0 : i32
      %dma_start3A_404 = arith.constant 0 : i32
      %dma_start3A_405 = tpu.memref_slice %arg6[%dma_start3A_394, %dma_start3A_403, %dma_start3A_404] : memref<3x128x256xf32, #tpu.memory_space<vmem>> -> memref<1x128x256xf32, #tpu.memory_space<vmem>>
      %dma_start3A_406 = tpu.memref_squeeze %dma_start3A_405 : memref<1x128x256xf32, #tpu.memory_space<vmem>> -> memref<128x256xf32, #tpu.memory_space<vmem>>
      tpu.enqueue_dma source(%dma_start3A_406 : memref<128x256xf32, #tpu.memory_space<vmem>>) target(%dma_start3A_402 : memref<128x256xf32, #tpu.memory_space<hbm>>) target_semaphore(%arg12 : memref<!tpu.dma_semaphore, #tpu.memory_space<semaphore_mem>>)
    }
    %scan3A_186 = arith.constant 10 : i32
    %dma_wait3A = arith.constant 0 : i32
    %dma_wait3A_187 = arith.constant 0 : i32
    %dma_wait3A_188 = arith.constant 0 : i32
    %dma_wait3A_189 = tpu.memref_slice %arg6[%dma_wait3A, %dma_wait3A_187, %dma_wait3A_188] : memref<3x128x256xf32, #tpu.memory_space<vmem>> -> memref<1x128x256xf32, #tpu.memory_space<vmem>>
    %dma_wait3A_190 = tpu.memref_squeeze %dma_wait3A_189 : memref<1x128x256xf32, #tpu.memory_space<vmem>> -> memref<128x256xf32, #tpu.memory_space<vmem>>
    %dma_wait3A_191 = arith.constant 3840 : i32
    %dma_wait3A_192 = tpu.memref_slice %arg5[%dma_wait3A_191] : memref<4096xi32, #tpu.memory_space<vmem>> -> memref<128xi32, #tpu.memory_space<vmem>>
    %dma_wait3A_193 = arith.constant 0 : i32
    %dma_wait3A_194 = arith.constant 0 : i32
    %dma_wait3A_195 = tpu.memref_slice %arg3[%dma_wait3A_193, %dma_wait3A_194] : memref<1032x256xf32, #tpu.memory_space<hbm>> -> memref<1032x256xf32, #tpu.memory_space<hbm>>
    tpu.wait_indirect_dma semaphore(%arg7 : memref<!tpu.dma_semaphore, #tpu.memory_space<semaphore_mem>>) src(%dma_wait3A_195 : memref<1032x256xf32, #tpu.memory_space<hbm>>) dst(%dma_wait3A_190 : memref<128x256xf32, #tpu.memory_space<vmem>>)
    %add3A_196 = arith.constant 3712 : i32
    %add3A_197 = arith.addi %mul3A_2, %add3A_196 : i32
    %dma_wait3A_198 = arith.constant 2 : i32
    %dma_wait3A_199 = arith.constant 0 : i32
    %dma_wait3A_200 = arith.constant 0 : i32
    %dma_wait3A_201 = tpu.memref_slice %arg6[%dma_wait3A_198, %dma_wait3A_199, %dma_wait3A_200] : memref<3x128x256xf32, #tpu.memory_space<vmem>> -> memref<1x128x256xf32, #tpu.memory_space<vmem>>
    %dma_wait3A_202 = tpu.memref_squeeze %dma_wait3A_201 : memref<1x128x256xf32, #tpu.memory_space<vmem>> -> memref<128x256xf32, #tpu.memory_space<vmem>>
    %dma_wait3A_203 = arith.constant 0 : i32
    %dma_wait3A_204 = tpu.memref_slice %arg4[%add3A_197, %dma_wait3A_203] : memref<131072x256xf32, #tpu.memory_space<hbm>> -> memref<128x256xf32, #tpu.memory_space<hbm>>
    %dma_wait3A_205 = arith.constant 0 : i32
    %dma_wait3A_206 = tpu.memref_slice %arg4[%add3A_197, %dma_wait3A_205] : memref<131072x256xf32, #tpu.memory_space<hbm>> -> memref<128x256xf32, #tpu.memory_space<hbm>>
    %dma_wait3A_207 = arith.constant 0 : i32
    %dma_wait3A_208 = arith.constant 0 : i32
    %dma_wait3A_209 = tpu.memref_slice %arg6[%dma_wait3A_198, %dma_wait3A_207, %dma_wait3A_208] : memref<3x128x256xf32, #tpu.memory_space<vmem>> -> memref<1x128x256xf32, #tpu.memory_space<vmem>>
    %dma_wait3A_210 = tpu.memref_squeeze %dma_wait3A_209 : memref<1x128x256xf32, #tpu.memory_space<vmem>> -> memref<128x256xf32, #tpu.memory_space<vmem>>
    tpu.wait_dma2 semaphore(%arg12 : memref<!tpu.dma_semaphore, #tpu.memory_space<semaphore_mem>>) src(%dma_wait3A_210 : memref<128x256xf32, #tpu.memory_space<vmem>>) dst(%dma_wait3A_206 : memref<128x256xf32, #tpu.memory_space<hbm>>)
    %add3A_211 = arith.constant 3840 : i32
    %add3A_212 = arith.addi %mul3A_2, %add3A_211 : i32
    %dma_start3A_213 = arith.constant 0 : i32
    %dma_start3A_214 = arith.constant 0 : i32
    %dma_start3A_215 = arith.constant 0 : i32
    %dma_start3A_216 = tpu.memref_slice %arg6[%dma_start3A_213, %dma_start3A_214, %dma_start3A_215] : memref<3x128x256xf32, #tpu.memory_space<vmem>> -> memref<1x128x256xf32, #tpu.memory_space<vmem>>
    %dma_start3A_217 = tpu.memref_squeeze %dma_start3A_216 : memref<1x128x256xf32, #tpu.memory_space<vmem>> -> memref<128x256xf32, #tpu.memory_space<vmem>>
    %dma_start3A_218 = arith.constant 0 : i32
    %dma_start3A_219 = tpu.memref_slice %arg4[%add3A_212, %dma_start3A_218] : memref<131072x256xf32, #tpu.memory_space<hbm>> -> memref<128x256xf32, #tpu.memory_space<hbm>>
    %dma_start3A_220 = arith.constant 0 : i32
    %dma_start3A_221 = tpu.memref_slice %arg4[%add3A_212, %dma_start3A_220] : memref<131072x256xf32, #tpu.memory_space<hbm>> -> memref<128x256xf32, #tpu.memory_space<hbm>>
    %dma_start3A_222 = arith.constant 0 : i32
    %dma_start3A_223 = arith.constant 0 : i32
    %dma_start3A_224 = tpu.memref_slice %arg6[%dma_start3A_213, %dma_start3A_222, %dma_start3A_223] : memref<3x128x256xf32, #tpu.memory_space<vmem>> -> memref<1x128x256xf32, #tpu.memory_space<vmem>>
    %dma_start3A_225 = tpu.memref_squeeze %dma_start3A_224 : memref<1x128x256xf32, #tpu.memory_space<vmem>> -> memref<128x256xf32, #tpu.memory_space<vmem>>
    tpu.enqueue_dma source(%dma_start3A_225 : memref<128x256xf32, #tpu.memory_space<vmem>>) target(%dma_start3A_221 : memref<128x256xf32, #tpu.memory_space<hbm>>) target_semaphore(%arg10 : memref<!tpu.dma_semaphore, #tpu.memory_space<semaphore_mem>>)
    %dma_wait3A_226 = arith.constant 1 : i32
    %dma_wait3A_227 = arith.constant 0 : i32
    %dma_wait3A_228 = arith.constant 0 : i32
    %dma_wait3A_229 = tpu.memref_slice %arg6[%dma_wait3A_226, %dma_wait3A_227, %dma_wait3A_228] : memref<3x128x256xf32, #tpu.memory_space<vmem>> -> memref<1x128x256xf32, #tpu.memory_space<vmem>>
    %dma_wait3A_230 = tpu.memref_squeeze %dma_wait3A_229 : memref<1x128x256xf32, #tpu.memory_space<vmem>> -> memref<128x256xf32, #tpu.memory_space<vmem>>
    %dma_wait3A_231 = arith.constant 3968 : i32
    %dma_wait3A_232 = tpu.memref_slice %arg5[%dma_wait3A_231] : memref<4096xi32, #tpu.memory_space<vmem>> -> memref<128xi32, #tpu.memory_space<vmem>>
    %dma_wait3A_233 = arith.constant 0 : i32
    %dma_wait3A_234 = arith.constant 0 : i32
    %dma_wait3A_235 = tpu.memref_slice %arg3[%dma_wait3A_233, %dma_wait3A_234] : memref<1032x256xf32, #tpu.memory_space<hbm>> -> memref<1032x256xf32, #tpu.memory_space<hbm>>
    tpu.wait_indirect_dma semaphore(%arg8 : memref<!tpu.dma_semaphore, #tpu.memory_space<semaphore_mem>>) src(%dma_wait3A_235 : memref<1032x256xf32, #tpu.memory_space<hbm>>) dst(%dma_wait3A_230 : memref<128x256xf32, #tpu.memory_space<vmem>>)
    %add3A_236 = arith.constant 3840 : i32
    %add3A_237 = arith.addi %mul3A_2, %add3A_236 : i32
    %dma_wait3A_238 = arith.constant 0 : i32
    %dma_wait3A_239 = arith.constant 0 : i32
    %dma_wait3A_240 = arith.constant 0 : i32
    %dma_wait3A_241 = tpu.memref_slice %arg6[%dma_wait3A_238, %dma_wait3A_239, %dma_wait3A_240] : memref<3x128x256xf32, #tpu.memory_space<vmem>> -> memref<1x128x256xf32, #tpu.memory_space<vmem>>
    %dma_wait3A_242 = tpu.memref_squeeze %dma_wait3A_241 : memref<1x128x256xf32, #tpu.memory_space<vmem>> -> memref<128x256xf32, #tpu.memory_space<vmem>>
    %dma_wait3A_243 = arith.constant 0 : i32
    %dma_wait3A_244 = tpu.memref_slice %arg4[%add3A_237, %dma_wait3A_243] : memref<131072x256xf32, #tpu.memory_space<hbm>> -> memref<128x256xf32, #tpu.memory_space<hbm>>
    %dma_wait3A_245 = arith.constant 0 : i32
    %dma_wait3A_246 = tpu.memref_slice %arg4[%add3A_237, %dma_wait3A_245] : memref<131072x256xf32, #tpu.memory_space<hbm>> -> memref<128x256xf32, #tpu.memory_space<hbm>>
    %dma_wait3A_247 = arith.constant 0 : i32
    %dma_wait3A_248 = arith.constant 0 : i32
    %dma_wait3A_249 = tpu.memref_slice %arg6[%dma_wait3A_238, %dma_wait3A_247, %dma_wait3A_248] : memref<3x128x256xf32, #tpu.memory_space<vmem>> -> memref<1x128x256xf32, #tpu.memory_space<vmem>>
    %dma_wait3A_250 = tpu.memref_squeeze %dma_wait3A_249 : memref<1x128x256xf32, #tpu.memory_space<vmem>> -> memref<128x256xf32, #tpu.memory_space<vmem>>
    tpu.wait_dma2 semaphore(%arg10 : memref<!tpu.dma_semaphore, #tpu.memory_space<semaphore_mem>>) src(%dma_wait3A_250 : memref<128x256xf32, #tpu.memory_space<vmem>>) dst(%dma_wait3A_246 : memref<128x256xf32, #tpu.memory_space<hbm>>)
    %add3A_251 = arith.constant 3968 : i32
    %add3A_252 = arith.addi %mul3A_2, %add3A_251 : i32
    %dma_start3A_253 = arith.constant 1 : i32
    %dma_start3A_254 = arith.constant 0 : i32
    %dma_start3A_255 = arith.constant 0 : i32
    %dma_start3A_256 = tpu.memref_slice %arg6[%dma_start3A_253, %dma_start3A_254, %dma_start3A_255] : memref<3x128x256xf32, #tpu.memory_space<vmem>> -> memref<1x128x256xf32, #tpu.memory_space<vmem>>
    %dma_start3A_257 = tpu.memref_squeeze %dma_start3A_256 : memref<1x128x256xf32, #tpu.memory_space<vmem>> -> memref<128x256xf32, #tpu.memory_space<vmem>>
    %dma_start3A_258 = arith.constant 0 : i32
    %dma_start3A_259 = tpu.memref_slice %arg4[%add3A_252, %dma_start3A_258] : memref<131072x256xf32, #tpu.memory_space<hbm>> -> memref<128x256xf32, #tpu.memory_space<hbm>>
    %dma_start3A_260 = arith.constant 0 : i32
    %dma_start3A_261 = tpu.memref_slice %arg4[%add3A_252, %dma_start3A_260] : memref<131072x256xf32, #tpu.memory_space<hbm>> -> memref<128x256xf32, #tpu.memory_space<hbm>>
    %dma_start3A_262 = arith.constant 0 : i32
    %dma_start3A_263 = arith.constant 0 : i32
    %dma_start3A_264 = tpu.memref_slice %arg6[%dma_start3A_253, %dma_start3A_262, %dma_start3A_263] : memref<3x128x256xf32, #tpu.memory_space<vmem>> -> memref<1x128x256xf32, #tpu.memory_space<vmem>>
    %dma_start3A_265 = tpu.memref_squeeze %dma_start3A_264 : memref<1x128x256xf32, #tpu.memory_space<vmem>> -> memref<128x256xf32, #tpu.memory_space<vmem>>
    tpu.enqueue_dma source(%dma_start3A_265 : memref<128x256xf32, #tpu.memory_space<vmem>>) target(%dma_start3A_261 : memref<128x256xf32, #tpu.memory_space<hbm>>) target_semaphore(%arg11 : memref<!tpu.dma_semaphore, #tpu.memory_space<semaphore_mem>>)
    %add3A_266 = arith.constant 3968 : i32
    %add3A_267 = arith.addi %mul3A_2, %add3A_266 : i32
    %dma_wait3A_268 = arith.constant 1 : i32
    %dma_wait3A_269 = arith.constant 0 : i32
    %dma_wait3A_270 = arith.constant 0 : i32
    %dma_wait3A_271 = tpu.memref_slice %arg6[%dma_wait3A_268, %dma_wait3A_269, %dma_wait3A_270] : memref<3x128x256xf32, #tpu.memory_space<vmem>> -> memref<1x128x256xf32, #tpu.memory_space<vmem>>
    %dma_wait3A_272 = tpu.memref_squeeze %dma_wait3A_271 : memref<1x128x256xf32, #tpu.memory_space<vmem>> -> memref<128x256xf32, #tpu.memory_space<vmem>>
    %dma_wait3A_273 = arith.constant 0 : i32
    %dma_wait3A_274 = tpu.memref_slice %arg4[%add3A_267, %dma_wait3A_273] : memref<131072x256xf32, #tpu.memory_space<hbm>> -> memref<128x256xf32, #tpu.memory_space<hbm>>
    %dma_wait3A_275 = arith.constant 0 : i32
    %dma_wait3A_276 = tpu.memref_slice %arg4[%add3A_267, %dma_wait3A_275] : memref<131072x256xf32, #tpu.memory_space<hbm>> -> memref<128x256xf32, #tpu.memory_space<hbm>>
    %dma_wait3A_277 = arith.constant 0 : i32
    %dma_wait3A_278 = arith.constant 0 : i32
    %dma_wait3A_279 = tpu.memref_slice %arg6[%dma_wait3A_268, %dma_wait3A_277, %dma_wait3A_278] : memref<3x128x256xf32, #tpu.memory_space<vmem>> -> memref<1x128x256xf32, #tpu.memory_space<vmem>>
    %dma_wait3A_280 = tpu.memref_squeeze %dma_wait3A_279 : memref<1x128x256xf32, #tpu.memory_space<vmem>> -> memref<128x256xf32, #tpu.memory_space<vmem>>
    tpu.wait_dma2 semaphore(%arg11 : memref<!tpu.dma_semaphore, #tpu.memory_space<semaphore_mem>>) src(%dma_wait3A_280 : memref<128x256xf32, #tpu.memory_space<vmem>>) dst(%dma_wait3A_276 : memref<128x256xf32, #tpu.memory_space<hbm>>)
    return
  }
}

</mosaic_0001>

<sc_bundles>
// kernel: kernel.3.cloned.1.call-start
scs
__scs_entry_jumppad:
0x0: {  	(pc) =	sbr.rel $0x88, $3  }
0x1: {  	(tag) =	ssettag $0x0;
	lr =	simm.s32 $0x1  }
0x2: {  	[smem:$0x3F9F] =	sst lr;
	_ =	strace $0xD0000000  }
0x3: {  	_ = 	snop  }
0x4: {  	_ = 	snop  }
0x5: {  	_ = 	snop  }
0x6: {  	_ = 	snop  }
0x7: {  	_ = 	snop  }
__scs_overlays_trampoline_lowered:
0x8: {  	[smem:$0x3FAE] =	sst s0  }
0x9: {  	[smem:$0x3FAF] =	sst s1  }
0xa: {  	[smem:$0x3FB0] =	sst s2  }
0xb: {  	[smem:$0x3FB1] =	sst s3  }
0xc: {  	[smem:$0x3FB2] =	sst s4  }
0xd: {  	[smem:$0x3FB3] =	sst s5  }
0xe: {  	[smem:$0x3FB4] =	sst s6  }
0xf: {  	[smem:$0x3FB5] =	sst s7  }
0x10: {  	[smem:$0x3FB6] =	sst s8  }
0x11: {  	[smem:$0x3FB7] =	sst s9;
	s0 =	simm.s32 @!p0 $0x0  }
0x12: {  	s1 =	sld [smem:$0x3F9D];
	s0 =	simm.s32 @p0 $0x1  }
0x13: {  	[smem:$0x3FB8] =	sst s0;
	s0 =	simm.s32 @!p1 $0x0  }
0x14: {  	s2 =	sld [smem:$0x3F9C];
	s0 =	simm.s32 @p1 $0x1  }
0x15: {  	[smem:$0x3FB9] =	sst s0;
	s0 =	simm.s32 @!p2 $0x0  }
0x16: {  	s3 =	sld [smem:$0x3FDB];
	s0 =	simm.s32 @p2 $0x1  }
0x17: {  	s4 =	simm.s32 $0x1BF5;
	[smem:$0x3FBB] =	sst s0  }
0x18: {  	s0 =	sld [smem:$0x3F9E];
	_ =	swait.ge [sflag:s4], $0x0  }
0x19: {  	s7 =	sld [smem:$0x3F9F]  }
0x1a: {  	s8 =	sadd.s32 $0xFFFFE003, lr  }
0x1b: {  	s9 =	sadd.s32 $0xFFFFFEF7, lr;
	s5 =	simm.s32 $0xFFFFFFFF;
	p2 =	slt.u32 s8, $0xFFFFF086  }
0x1c: {  	p1 =	slt.u32 s9, $0xF7A;
	s5 =	simm.s32 @!p2 $0x0  }
0x1d: {  	s5 =	simm.s32 @p1 $0x1;
	p0 =	seq.s32 s7, s2  }
0x1e: {  	s7 =	smul.u32 @!p0 $0xF7A, s2;
	p2 =	seq.s32 @!p0 s5, $0x0  }
0x1f: {  	s9 =	smul.u32 $0xF7A, s1;
	s8 =	simm.s32 @!p0 $0x1BF5;
	p2 =	por !p2, p0  }
0x20: {  	[sflag:s8] =	ssyncset.s32 @!p0 $0xFFFFF086;
	s6 =	sadd.s32 @!p0 s3, s7;
	s7 =	simm.s32 @!p0 $0x108  }
0x21: {  	s3 =	sadd.s32 s3, s9;
	s6 =	sadd.s32 @!p0 $0x88, s6;
	s7 =	simm.s32 @p2 $0x1082  }
0x22: {  	[simem:s7], [sflag:s8] =	dma.local @!p0 [hbm:s6], $0xF7A  }
0x23: {  	s9 =	sor.u32 $0xD0000000, s2;
	s6 =	simm.s32 $0x108;
	_ =	swait.ge @!p0 [sflag:s8], $0x0  }
0x24: {  	s3 =	sadd.s32 $0x88, s3;
	s6 =	simm.s32 @!p1 $0x1082;
	[sflag:s4] =	ssyncset.s32 $0xFFFFF086  }
0x25: {  	[simem:s6], [sflag:s4] =	dma.local [hbm:s3], $0xF7A  }
0x26: {  	[smem:$0x3F9F] =	sst s1;
	(tag) =	ssettag s2;
	_ =	strace s9  }
0x27: {  	s1 =	sld [smem:$0x3FAF]  }
0x28: {  	s2 =	sld [smem:$0x3FB0]  }
0x29: {  	s4 =	sld [smem:$0x3FB2]  }
0x2a: {  	p0 =	seq.s32 s5, $0x0;
	s5 =	sld [smem:$0x3FB3]  }
0x2b: {  	s6 =	sld [smem:$0x3FB4]  }
0x2c: {  	s7 =	sld [smem:$0x3FB5]  }
0x2d: {  	s3 =	simm.s32 $0x108;
	s8 =	sld [smem:$0x3FB6]  }
0x2e: {  	s3 =	simm.s32 @!p0 $0x1082;
	s9 =	sld [smem:$0x3FB7]  }
0x2f: {  	lr =	sadd.s32 s0, s3;
	s0 =	sld [smem:$0x3FAE]  }
0x30: {  	s3 =	sld [smem:$0x3FB1]  }
0x31: {  	[smem:$0x3FBA] =	sst s10  }
0x32: {  	s10 =	sld [smem:$0x3FB8];
	_ =	sdelay $0x3  }
0x33: {  	p0 =	seq.s32 s10, $0x1;
	s10 =	sld [smem:$0x3FBA];
	_ =	sdelay $0x3  }
0x34: {  	[smem:$0x3FBA] =	sst s10  }
0x35: {  	s10 =	sld [smem:$0x3FB9];
	_ =	sdelay $0x3  }
0x36: {  	p1 =	seq.s32 s10, $0x1;
	s10 =	sld [smem:$0x3FBA];
	_ =	sdelay $0x3  }
0x37: {  	[smem:$0x3FBA] =	sst s10  }
0x38: {  	s10 =	sld [smem:$0x3FBB]  }
0x39: {  	_ = 	snop;
	(pc) =	sbr.ind lr, $3  }
0x3a: {  	_ = 	snop  }
0x3b: {  	_ = 	snop  }
0x3c: {  	p2 =	seq.s32 s10, $0x1;
	s10 =	sld [smem:$0x3FBA]  }
0x3d: {  	_ =	shalt  }
0x3e: {  	_ =	shalt  }
0x3f: {  	_ =	shalt  }
0x40: {  	_ =	shalt  }
0x41: {  	_ =	shalt  }
0x42: {  	_ =	shalt  }
0x43: {  	_ =	shalt  }
0x44: {  	_ =	shalt  }
0x45: {  	_ =	shalt  }
0x46: {  	_ =	shalt  }
0x47: {  	_ =	shalt  }
0x48: {  	_ =	shalt  }
0x49: {  	_ =	shalt  }
0x4a: {  	_ =	shalt  }
0x4b: {  	_ =	shalt  }
0x4c: {  	_ =	shalt  }
0x4d: {  	_ =	shalt  }
0x4e: {  	_ =	shalt  }
0x4f: {  	_ =	shalt  }
0x50: {  	_ =	shalt  }
0x51: {  	_ =	shalt  }
0x52: {  	_ =	shalt  }
0x53: {  	_ =	shalt  }
0x54: {  	_ =	shalt  }
0x55: {  	_ =	shalt  }
0x56: {  	_ =	shalt  }
0x57: {  	_ =	shalt  }
0x58: {  	_ =	shalt  }
0x59: {  	_ =	shalt  }
0x5a: {  	_ =	shalt  }
0x5b: {  	_ =	shalt  }
0x5c: {  	_ =	shalt  }
0x5d: {  	_ =	shalt  }
0x5e: {  	_ =	shalt  }
0x5f: {  	_ =	shalt  }
0x60: {  	_ =	shalt  }
0x61: {  	_ =	shalt  }
0x62: {  	_ =	shalt  }
0x63: {  	_ =	shalt  }
0x64: {  	_ =	shalt  }
0x65: {  	_ =	shalt  }
0x66: {  	_ =	shalt  }
0x67: {  	_ =	shalt  }
0x68: {  	_ =	shalt  }
0x69: {  	_ =	shalt  }
0x6a: {  	_ =	shalt  }
0x6b: {  	_ =	shalt  }
0x6c: {  	_ =	shalt  }
0x6d: {  	_ =	shalt  }
0x6e: {  	_ =	shalt  }
0x6f: {  	_ =	shalt  }
0x70: {  	_ =	shalt  }
0x71: {  	_ =	shalt  }
0x72: {  	_ =	shalt  }
0x73: {  	_ =	shalt  }
0x74: {  	_ =	shalt  }
0x75: {  	_ =	shalt  }
0x76: {  	_ =	shalt  }
0x77: {  	_ =	shalt  }
0x78: {  	_ =	shalt  }
0x79: {  	_ =	shalt  }
0x7a: {  	_ =	shalt  }
0x7b: {  	_ =	shalt  }
0x7c: {  	_ =	shalt  }
0x7d: {  	_ =	shalt  }
0x7e: {  	_ =	shalt  }
0x7f: {  	_ =	shalt  }
0x80: {  	_ =	shalt  }
0x81: {  	_ =	shalt  }
0x82: {  	_ =	shalt  }
0x83: {  	_ =	shalt  }
0x84: {  	_ =	shalt  }
0x85: {  	_ =	shalt  }
0x86: {  	_ =	shalt  }
0x87: {  	_ =	shalt  }
.Lfunc_end0:
.L_simem_size_0:
called_computation_lowered:
.L_overlay_start_0:
0x88: {  	s2 =	sld [smem:$0x3FD9]  }
0x89: {  	s3 =	sld [smem:$0x3FFE];
	_ =	sdelay $0x1  }
0x8a: {  	s1 =	srdreg.scid  }
0x8b: {  	s0 =	sand.u32 $0x1, s1  }
0x8c: {  	s17 =	sshll.u32 s0, $0xA;
	s2 =	sadd.s32 s3, s2  }
0x8d: {  	s2 =	sadd.s32 s2, s17  }
0x8e: {  	[smem:$0x3FC6] =	sst s2  }
0x8f: {  	_ = 	snop  }
0x90: {  	s2 =	sld [smem:$0x3FC9]  }
0x91: {  	s18 =	sld [smem:$0x3FD0];
	(tm) =	ssettm $0x1  }
0x92: {  	s4 =	sld [smem:$0x3FFB];
	_ =	sdelay $0x3  }
0x93: {  	_ =	strace s4  }
0x94: {  	s4 =	sld [smem:$0x3FFC];
	_ =	sdelay $0x3  }
0x95: {  	_ =	strace s4  }
0x96: {  	s4 =	sld [smem:$0x3FFD];
	_ =	sdelay $0x3  }
0x97: {  	_ =	strace s4  }
0x98: {  	_ =	strace $0x8FFFFFFF  }
0x99: {  	s19 =	sld [smem:$0x3FDB];
	_ =	sdelay $0x1  }
0x9a: {  	s5 =	simm.s32 $_scs_section_size  }
0x9b: {  	s6 =	simm.s32 $_size__tile_overlayer_lowered;
	s7 =	simm.s32 $_tile_overlayer_lowered  }
0x9c: {  	s22 =	simm.s32 $0x1BFF;
	s21 =	sshll.u32 s7, $0x1;
	s4 =	sadd.s32 s5, s19  }
0x9d: {  	s8 =	simm.s32 $0x0;
	s20 =	sshll.u32 s6, $0x1;
	s6 =	sadd.s32 s21, s4  }
0x9e: {  	[timem:s8], [sflag:s22] =	dma.local [hbm:s6], s20  }
0x9f: {  	_ =	swait.ge [sflag:s22], s20  }
0xa0: {  	s5 =	ssub.s32 $0x0, s20;
	[sflag:s22] =	ssyncset.done $0x0  }
0xa1: {  	[sflag:s22] =	ssyncadd.s32 s5;
	_ =	sdelay $0x1  }
0xa2: {  	s23 =	simm.s32 $0x1B8B  }
0xa3: {  	_ =	swait.ge [sflag:s23], $0x1  }
0xa4: {  	[sflag:s23] =	ssyncset.done $0x0  }
0xa5: {  	s25 =	simm.s32 $0x1B8E;
	s24 =	sld [smem:$0x3FFE];
	[sflag:s23] =	ssyncadd.s32 $0xFFFFFFFF  }
0xa6: {  	s26 =	simm.s32 $execute0_lowered;
	[smem:$0x3FD2] =	sst s25  }
0xa7: {  	s6 =	sshll.u32 s26, $0x1;
	_ =	strace $0x80000046;
	[dreg:$0x1] =	wrdreg $0xFFFFFFFF  }
0xa8: {  	s28 =	simm.s32 $_size_execute0_lowered;
	s4 =	sadd.s32 s4, s6;
	[dreg:$0x0] =	wrdreg $0x0  }
0xa9: {  	s6 =	sshll.u32 s28, $0x1;
	[dreg:$0x2] =	wrdreg s4  }
0xaa: {  	[dreg:$0x3] =	wrdreg s6  }
0xab: {  	[dreg:$0x4] =	wrdreg $0xC0  }
0xac: {  	_ =	task [dreg:s8], $0x5FFFF  }
0xad: {  	[dreg:$0x1] =	wrdreg $0xFFFFFFFF  }
0xae: {  	[dreg:$0x0] =	wrdreg $0x60  }
0xaf: {  	[dreg:$0x2] =	wrdreg s2  }
0xb0: {  	[dreg:$0x3] =	wrdreg s24  }
0xb1: {  	[dreg:$0x4] =	wrdreg s18  }
0xb2: {  	[dreg:$0x5] =	wrdreg $0x9  }
0xb3: {  	_ =	task.clear_ibuf [dreg:s8], $0x6FFFF;
	_ =	strace $0x90000046  }
0xb4: {  	s29 =	simm.s32 $0x9;
	_ =	strace $0x80000048  }
0xb5: {  	_ =	swait.ge [sflag:s29], $0x1  }
0xb6: {  	[sflag:s29] =	ssyncadd.s32 $0xFFFFFFFF  }
0xb7: {  	_ =	strace $0x90000048  }
0xb8: {  	_ =	sfence  }
0xb9: {  	s30 =	sld [smem:$0x0];
	_ =	sdelay $0x2  }
0xba: {  	s31 =	sshll.u32 s1, $0xD;
	s1 =	sshrl.u32 s1, $0x2  }
0xbb: {  	s3 =	sand.u32 $0x4000, s31;
	s1 =	sadd.s32 s1, s30  }
0xbc: {  	s0 =	sor.u32 s3, s0;
	s1 =	sshll.u32 s1, $0x11  }
0xbd: {  	s0 =	sor.u32 s1, s0  }
0xbe: {  	s0 =	sadd.s32 $0x8F2B, s0  }
0xbf: {  	[sflag:s0] =	ssyncadd.remote.s32 $0x1  }
0xc0: {  	_ =	sfence.sel $0xFFFF  }
0xc1: {  	[dreg:$0x0] =	wrdreg $0xFFFFFFFF;
	(pc) =	sbr.abs _section_cstart, $3  }
0xc2: {  	[dreg:$0x1] =	wrdreg $0xFFFFFFFF  }
0xc3: {  	_ =	task.clear_ibuf [dreg:s8], $0x2FFFF;
	_ =	strace $0x9FFFFFFF  }
0xc4: {  	(tm) =	ssettm $0x7FFFFFFF  }
0xc5: {  	_ =	shalt  }
tec
execute0_lowered:
.L_overlay_start_1:
0x0: {  	(tag) =	ssettag $0x1  }
0x1: {  	s0 =	rddreg [dreg:$0x0]  }
0x2: {  	s2 =	rddreg [dreg:$0x1]  }
0x3: {  	s4 =	rddreg [dreg:$0x2];
	s1 =	simm.s32 $0x0  }
0x4: {  	s3 =	srdreg.scid;
	s9 =	stileid.u32;
	s10 =	simm.s32 $0x14000  }
0x5: {  	s11 =	simm.s32 $0x14800;
	s12 =	simm.s32 $0x15000;
	s28 =	simm.s32 $0x4800  }
0x6: {  	s13 =	simm.s32 $0x15800;
	s29 =	simm.s32 $0x5000;
	s14 =	simm.s32 $0x16000  }
0x7: {  	s16 =	simm.s32 $0x16800;
	s17 =	simm.s32 $0x17000;
	[smem:$0x7FF] =	sst s1  }
0x8: {  	s18 =	simm.s32 $0x17800;
	_ =	strace $0x80000047;
	[dreg:$0xa] =	wrdreg s10  }
0x9: {  	s30 =	simm.s32 $0xB000;
	s31 =	simm.s32 $0xB800;
	[dreg:$0xb] =	wrdreg s11  }
0xa: {  	s5 =	sand.u32 $0x1, s3;
	s3 =	sadd.s32 $0x400, s2;
	[dreg:$0xc] =	wrdreg s12  }
0xb: {  	s7 =	sshll.u32 s9, $0xD;
	s21 =	sshrl.u32 s9, $0x1;
	[dreg:$0xd] =	wrdreg s13  }
0xc: {  	s24 =	sshll.u32 s9, $0x12;
	s9 =	simm.s32 $0x1000;
	[dreg:$0xe] =	wrdreg s14  }
0xd: {  	s19 =	ssub.s32 $0x2, s5;
	s8 =	sshll.u32 s5, $0xC;
	[dreg:$0xf] =	wrdreg s16  }
0xe: {  	s15 =	smul.u32 $0x81, s21;
	s5 =	sshll.u32 s5, $0x11;
	[dreg:$0x10] =	wrdreg s17  }
0xf: {  	s21 =	simm.s32 $0x2000;
	[dreg:$0x11] =	wrdreg s18;
	s10 =	simm.s32 $0x9800  }
0x10: {  	s11 =	simm.s32 $0xA000;
	s12 =	simm.s32 $0xA800;
	s13 =	simm.s32 $0x1  }
0x11: {  	s14 =	simm.s32 $0x11000;
	s16 =	simm.s32 $0x4;
	s17 =	simm.s32 $0x3  }
0x12: {  	s18 =	simm.s32 $0x5;
	s6 =	sshrl.u32 s19, $0x1;
	s20 =	sor.u32 s8, s7  }
0x13: {  	s7 =	simm.s32 $0x13000;
	s8 =	simm.s32 $0x13800;
	s2 =	ssub.s32 s19, s6  }
0x14: {  	s22 =	sshrl.u32 s20, $0x3;
	s6 =	sshll.u32 s20, $0x5;
	[dreg:$0x8] =	wrdreg s7  }
0x15: {  	s20 =	simm.s32 $0x1800;
	[dreg:$0x9] =	wrdreg s8;
	s19 =	simm.s32 $0x18000  }
0x16: {  	s7 =	simm.s32 $0x7800;
	s0 =	sadd.s32 s0, s22;
	[dreg:$0x12] =	wrdreg s19  }
0x17: {  	s8 =	simm.s32 $0x8000;
	s26 =	smax.u32 s2, $0x1;
	[dreg:$0x14] =	wrdreg s0  }
0x18: {  	s23 =	sadd.s32 s6, s4;
	s6 =	simm.s32 $0x12800;
	[dreg:$0x17] =	wrdreg s26  }
0x19: {  	v0 =	vmov s15;
	s15 =	simm.s32 $0x2;
	s19 =	simm.s32 $0x0;
	[dreg:$0x7] =	wrdreg s6  }
0x1a: {  	s4 =	sadd.s32 s24, s4;
	s25 =	sadd.s32 $0x1E000, s23;
	[dreg:$0x18] =	wrdreg s19  }
0x1b: {  	s22 =	simm.s32 $0x2800;
	s0 =	sadd.s32 $0x1F000, s23;
	[dreg:$0x15] =	wrdreg s25  }
0x1c: {  	s24 =	simm.s32 $0x3800;
	s2 =	sadd.s32 s5, s4;
	[dreg:$0x16] =	wrdreg s0  }
0x1d: {  	s4 =	simm.s32 $0x11800;
	s5 =	simm.s32 $0x12000;
	[dreg:$0x4] =	wrdreg s2  }
0x1e: {  	s23 =	simm.s32 $0x3000;
	s26 =	simm.s32 $0x4000;
	[dreg:$0x5] =	wrdreg s4  }
0x1f: {  	v3 =	vlaneseq.u32;
	s6 =	simm.s32 $0x7000;
	[dreg:$0x6] =	wrdreg s5;
	s2 =	simm.s32 $0x5800  }
0x20: {  	vm0 =	vmmov $0xffff;
	v2 =	vshrl.u32 v3, $0x3;
	s4 =	simm.s32 $0x6000;
	s5 =	simm.s32 $0x6800;
	s25 =	simm.s32 $0x18800  }
0x21: {  	v1 =	vand.u32 $0x7, v3;
	v3 =	vor.u32 $0x8, v3;
	v2 =	vmul.u32 $0x8, v2;
	s0 =	simm.s32 $0x8800;
	[dreg:$0x13] =	wrdreg s25;
	s25 =	simm.s32 $0x9000  }
.LBB2_1:
0x22: {  	s19 =	rddreg [dreg:$0x14]  }
0x23: {  	[tilespmem:s1], [sflag:$0x7] =	stream.linear.gather [hbm4b:s19+s1], $0x1000, $0x38;
	[tilespmem:$0x19000] =	vst v63  }
0x24: {  	s19 =	simm.s32 $0x7  }
0x25: {  	_ =	swait.ge [sflag:s19], $0x1000  }
0x26: {  	[sflag:s19] =	ssyncset.done $0x0  }
0x27: {  	[sflag:s19] =	ssyncadd.s32 $0xFFFFF000  }
0x28: {  	v4 =	vld [tilespmem:$0x0];
	_ =	sdelay $0x2  }
0x29: {  	v5 =	vld [tilespmem:$0x10]  }
0x2a: {  	v6 =	vld [tilespmem:$0x20]  }
0x2b: {  	v7 =	vld [tilespmem:$0x30];
	v4 =	vadd.s32 v0, v4  }
0x2c: {  	v8 =	vld [tilespmem:$0x40];
	v9 =	vshll.u32 v4, $0x1  }
0x2d: {  	v10 =	vld [tilespmem:$0x50];
	v11 =	vand.u32 $0x7, v4;
	v9 =	vand.u32 $0xFFFFFFF0, v9  }
0x2e: {  	[tilespmem:$0x0] =	vst v4;
	v4 =	vadd.s32 v0, v5;
	v5 =	vld [tilespmem:$0x60];
	v9 =	vor.u32 v11, v9  }
0x2f: {  	v53 =	vld [tilespmem:$0x70];
	[tilespmem:$0x10] =	vst v4;
	v4 =	vadd.s32 v0, v6;
	v11 =	vperm.xlane v9, v1  }
0x30: {  	[tilespmem:$0x20] =	vst v4;
	v4 =	vadd.s32 v0, v7  }
0x31: {  	[tilespmem:$0x30] =	vst v4;
	v4 =	vadd.s32 v0, v8;
	v55 =	vperm.xlane v9, v3;
	v54 =	vadd.s32 v2, v11  }
0x32: {  	[tilespmem:$0x40] =	vst v4;
	v4 =	vadd.s32 v0, v10  }
0x33: {  	[tilespmem:$0x50] =	vst v4;
	v4 =	vadd.s32 v0, v5;
	v5 =	vadd.s32 v2, v55  }
0x34: {  	[tilespmem:$0x60] =	vst v4;
	v4 =	vadd.s32 v0, v53  }
0x35: {  	[tilespmem:$0x70] =	vst v4  }
0x36: {  	[tilespmem:s9], [sflag:$0x1] =	stream.indirect_vreg.gather [hbm4b:s3+s1], $0x80, v54, vm0, $0xb8;
	[tilespmem:$0x19000] =	vst v63  }
0x37: {  	_ = 	snop  }
0x38: {  	[tilespmem:s20], [sflag:$0x1] =	stream.indirect_vreg.gather [hbm4b:s3+s1], $0x80, v5, vm0, $0xb8;
	[tilespmem:$0x19000] =	vst v63  }
0x39: {  	v4 =	vld [tilespmem:$0x10];
	_ =	sdelay $0x4  }
0x3a: {  	v5 =	vshll.u32 v4, $0x1  }
0x3b: {  	v4 =	vand.u32 $0x7, v4;
	v5 =	vand.u32 $0xFFFFFFF0, v5  }
0x3c: {  	v4 =	vor.u32 v4, v5  }
0x3d: {  	v5 =	vperm.xlane v4, v1;
	_ =	sdelay $0x1  }
0x3e: {  	v4 =	vperm.xlane v4, v3;
	v5 =	vadd.s32 v2, v5;
	_ =	sdelay $0x1  }
0x3f: {  	v4 =	vadd.s32 v2, v4;
	_ =	sdelay $0x2  }
0x40: {  	[tilespmem:s21], [sflag:$0x1] =	stream.indirect_vreg.gather [hbm4b:s3+s1], $0x80, v5, vm0, $0xb8;
	[tilespmem:$0x19000] =	vst v63  }
0x41: {  	_ = 	snop  }
0x42: {  	[tilespmem:s22], [sflag:$0x1] =	stream.indirect_vreg.gather [hbm4b:s3+s1], $0x80, v4, vm0, $0xb8;
	[tilespmem:$0x19000] =	vst v63  }
0x43: {  	v4 =	vld [tilespmem:$0x20];
	_ =	sdelay $0x4  }
0x44: {  	v5 =	vshll.u32 v4, $0x1  }
0x45: {  	v4 =	vand.u32 $0x7, v4;
	v5 =	vand.u32 $0xFFFFFFF0, v5  }
0x46: {  	v4 =	vor.u32 v4, v5  }
0x47: {  	v5 =	vperm.xlane v4, v1;
	_ =	sdelay $0x1  }
0x48: {  	v4 =	vperm.xlane v4, v3;
	v5 =	vadd.s32 v2, v5;
	_ =	sdelay $0x1  }
0x49: {  	v4 =	vadd.s32 v2, v4;
	_ =	sdelay $0x2  }
0x4a: {  	[tilespmem:s23], [sflag:$0x1] =	stream.indirect_vreg.gather [hbm4b:s3+s1], $0x80, v5, vm0, $0xb8;
	[tilespmem:$0x19000] =	vst v63  }
0x4b: {  	_ = 	snop  }
0x4c: {  	[tilespmem:s24], [sflag:$0x1] =	stream.indirect_vreg.gather [hbm4b:s3+s1], $0x80, v4, vm0, $0xb8;
	[tilespmem:$0x19000] =	vst v63  }
0x4d: {  	v4 =	vld [tilespmem:$0x30];
	_ =	sdelay $0x4  }
0x4e: {  	v5 =	vshll.u32 v4, $0x1  }
0x4f: {  	v4 =	vand.u32 $0x7, v4;
	v5 =	vand.u32 $0xFFFFFFF0, v5  }
0x50: {  	v4 =	vor.u32 v4, v5  }
0x51: {  	v5 =	vperm.xlane v4, v1;
	_ =	sdelay $0x1  }
0x52: {  	v4 =	vperm.xlane v4, v3;
	v5 =	vadd.s32 v2, v5;
	_ =	sdelay $0x1  }
0x53: {  	v4 =	vadd.s32 v2, v4;
	_ =	sdelay $0x2  }
0x54: {  	[tilespmem:s26], [sflag:$0x1] =	stream.indirect_vreg.gather [hbm4b:s3+s1], $0x80, v5, vm0, $0xb8;
	[tilespmem:$0x19000] =	vst v63  }
0x55: {  	_ = 	snop  }
0x56: {  	[tilespmem:s28], [sflag:$0x1] =	stream.indirect_vreg.gather [hbm4b:s3+s1], $0x80, v4, vm0, $0xb8;
	[tilespmem:$0x19000] =	vst v63  }
0x57: {  	v4 =	vld [tilespmem:$0x40];
	_ =	sdelay $0x4  }
0x58: {  	v5 =	vshll.u32 v4, $0x1  }
0x59: {  	v4 =	vand.u32 $0x7, v4;
	v5 =	vand.u32 $0xFFFFFFF0, v5  }
0x5a: {  	v4 =	vor.u32 v4, v5  }
0x5b: {  	v5 =	vperm.xlane v4, v1;
	_ =	sdelay $0x1  }
0x5c: {  	v4 =	vperm.xlane v4, v3;
	v5 =	vadd.s32 v2, v5;
	_ =	sdelay $0x1  }
0x5d: {  	v4 =	vadd.s32 v2, v4;
	_ =	sdelay $0x2  }
0x5e: {  	[tilespmem:s29], [sflag:$0x1] =	stream.indirect_vreg.gather [hbm4b:s3+s1], $0x80, v5, vm0, $0xb8;
	[tilespmem:$0x19000] =	vst v63  }
0x5f: {  	_ = 	snop  }
0x60: {  	[tilespmem:s2], [sflag:$0x1] =	stream.indirect_vreg.gather [hbm4b:s3+s1], $0x80, v4, vm0, $0xb8;
	[tilespmem:$0x19000] =	vst v63  }
0x61: {  	v4 =	vld [tilespmem:$0x50];
	_ =	sdelay $0x4  }
0x62: {  	v5 =	vshll.u32 v4, $0x1  }
0x63: {  	v4 =	vand.u32 $0x7, v4;
	v5 =	vand.u32 $0xFFFFFFF0, v5  }
0x64: {  	v4 =	vor.u32 v4, v5  }
0x65: {  	v5 =	vperm.xlane v4, v1;
	_ =	sdelay $0x1  }
0x66: {  	v4 =	vperm.xlane v4, v3;
	v5 =	vadd.s32 v2, v5;
	_ =	sdelay $0x1  }
0x67: {  	v4 =	vadd.s32 v2, v4;
	_ =	sdelay $0x2  }
0x68: {  	[tilespmem:s4], [sflag:$0x1] =	stream.indirect_vreg.gather [hbm4b:s3+s1], $0x80, v5, vm0, $0xb8;
	[tilespmem:$0x19000] =	vst v63  }
0x69: {  	_ = 	snop  }
0x6a: {  	[tilespmem:s5], [sflag:$0x1] =	stream.indirect_vreg.gather [hbm4b:s3+s1], $0x80, v4, vm0, $0xb8;
	[tilespmem:$0x19000] =	vst v63  }
0x6b: {  	v4 =	vld [tilespmem:$0x60];
	_ =	sdelay $0x4  }
0x6c: {  	v5 =	vshll.u32 v4, $0x1  }
0x6d: {  	v4 =	vand.u32 $0x7, v4;
	v5 =	vand.u32 $0xFFFFFFF0, v5  }
0x6e: {  	v4 =	vor.u32 v4, v5  }
0x6f: {  	v5 =	vperm.xlane v4, v1;
	_ =	sdelay $0x1  }
0x70: {  	v4 =	vperm.xlane v4, v3;
	v5 =	vadd.s32 v2, v5;
	_ =	sdelay $0x1  }
0x71: {  	v4 =	vadd.s32 v2, v4;
	_ =	sdelay $0x2  }
0x72: {  	[tilespmem:s6], [sflag:$0x1] =	stream.indirect_vreg.gather [hbm4b:s3+s1], $0x80, v5, vm0, $0xb8;
	[tilespmem:$0x19000] =	vst v63  }
0x73: {  	_ = 	snop  }
0x74: {  	[tilespmem:s7], [sflag:$0x1] =	stream.indirect_vreg.gather [hbm4b:s3+s1], $0x80, v4, vm0, $0xb8;
	[tilespmem:$0x19000] =	vst v63  }
0x75: {  	v4 =	vld [tilespmem:$0x70];
	_ =	sdelay $0x4  }
0x76: {  	v5 =	vshll.u32 v4, $0x1  }
0x77: {  	v4 =	vand.u32 $0x7, v4;
	v5 =	vand.u32 $0xFFFFFFF0, v5  }
0x78: {  	v4 =	vor.u32 v4, v5  }
0x79: {  	v5 =	vperm.xlane v4, v1;
	_ =	sdelay $0x1  }
0x7a: {  	v4 =	vperm.xlane v4, v3;
	v5 =	vadd.s32 v2, v5;
	_ =	sdelay $0x1  }
0x7b: {  	v4 =	vadd.s32 v2, v4;
	_ =	sdelay $0x2  }
0x7c: {  	[tilespmem:s8], [sflag:$0x1] =	stream.indirect_vreg.gather [hbm4b:s3+s1], $0x80, v5, vm0, $0xb8;
	[tilespmem:$0x19000] =	vst v63  }
0x7d: {  	_ = 	snop  }
0x7e: {  	[tilespmem:s0], [sflag:$0x1] =	stream.indirect_vreg.gather [hbm4b:s3+s1], $0x80, v4, vm0, $0xb8;
	[tilespmem:$0x19000] =	vst v63  }
0x7f: {  	v4 =	vld [tilespmem:$0x80];
	_ =	sdelay $0x2  }
0x80: {  	v5 =	vld [tilespmem:$0x90]  }
0x81: {  	v56 =	vld [tilespmem:$0xA0]  }
0x82: {  	v7 =	vld [tilespmem:$0xB0];
	v4 =	vadd.s32 v0, v4  }
0x83: {  	v57 =	vld [tilespmem:$0xC0];
	v58 =	vshll.u32 v4, $0x1  }
0x84: {  	v59 =	vld [tilespmem:$0xD0];
	v60 =	vand.u32 $0x7, v4;
	v9 =	vand.u32 $0xFFFFFFF0, v58  }
0x85: {  	[tilespmem:$0x80] =	vst v4;
	v4 =	vadd.s32 v0, v5;
	v5 =	vld [tilespmem:$0xE0];
	v9 =	vor.u32 v60, v9  }
0x86: {  	v61 =	vld [tilespmem:$0xF0];
	[tilespmem:$0x90] =	vst v4;
	v4 =	vadd.s32 v0, v56;
	v11 =	vperm.xlane v9, v1  }
0x87: {  	[tilespmem:$0xA0] =	vst v4;
	v4 =	vadd.s32 v0, v7  }
0x88: {  	[tilespmem:$0xB0] =	vst v4;
	v4 =	vadd.s32 v0, v57;
	v63 =	vperm.xlane v9, v3;
	v62 =	vadd.s32 v2, v11  }
0x89: {  	[tilespmem:$0xC0] =	vst v4;
	v4 =	vadd.s32 v0, v59  }
0x8a: {  	[tilespmem:$0xD0] =	vst v4;
	v4 =	vadd.s32 v0, v5;
	v5 =	vadd.s32 v2, v63  }
0x8b: {  	[tilespmem:$0xE0] =	vst v4;
	v4 =	vadd.s32 v0, v61  }
0x8c: {  	[tilespmem:$0xF0] =	vst v4  }
0x8d: {  	[tilespmem:s25], [sflag:$0x2] =	stream.indirect_vreg.gather [hbm4b:s3+s1], $0x80, v62, vm0, $0xb8;
	[tilespmem:$0x19000] =	vst v63  }
0x8e: {  	_ = 	snop  }
0x8f: {  	[tilespmem:s10], [sflag:$0x2] =	stream.indirect_vreg.gather [hbm4b:s3+s1], $0x80, v5, vm0, $0xb8;
	[tilespmem:$0x19000] =	vst v63  }
0x90: {  	v4 =	vld [tilespmem:$0x90];
	_ =	sdelay $0x4  }
0x91: {  	v5 =	vshll.u32 v4, $0x1  }
0x92: {  	v4 =	vand.u32 $0x7, v4;
	v5 =	vand.u32 $0xFFFFFFF0, v5  }
0x93: {  	v4 =	vor.u32 v4, v5  }
0x94: {  	v5 =	vperm.xlane v4, v1;
	_ =	sdelay $0x1  }
0x95: {  	v4 =	vperm.xlane v4, v3;
	v5 =	vadd.s32 v2, v5;
	_ =	sdelay $0x1  }
0x96: {  	v4 =	vadd.s32 v2, v4;
	_ =	sdelay $0x2  }
0x97: {  	[tilespmem:s11], [sflag:$0x2] =	stream.indirect_vreg.gather [hbm4b:s3+s1], $0x80, v5, vm0, $0xb8;
	[tilespmem:$0x19000] =	vst v63  }
0x98: {  	_ = 	snop  }
0x99: {  	[tilespmem:s12], [sflag:$0x2] =	stream.indirect_vreg.gather [hbm4b:s3+s1], $0x80, v4, vm0, $0xb8;
	[tilespmem:$0x19000] =	vst v63  }
0x9a: {  	v4 =	vld [tilespmem:$0xA0];
	_ =	sdelay $0x4  }
0x9b: {  	v5 =	vshll.u32 v4, $0x1  }
0x9c: {  	v4 =	vand.u32 $0x7, v4;
	v5 =	vand.u32 $0xFFFFFFF0, v5  }
0x9d: {  	v4 =	vor.u32 v4, v5  }
0x9e: {  	v5 =	vperm.xlane v4, v1;
	_ =	sdelay $0x1  }
0x9f: {  	v4 =	vperm.xlane v4, v3;
	v5 =	vadd.s32 v2, v5;
	_ =	sdelay $0x1  }
0xa0: {  	v4 =	vadd.s32 v2, v4;
	_ =	sdelay $0x2  }
0xa1: {  	[tilespmem:s30], [sflag:$0x2] =	stream.indirect_vreg.gather [hbm4b:s3+s1], $0x80, v5, vm0, $0xb8;
	[tilespmem:$0x19000] =	vst v63  }
0xa2: {  	_ = 	snop  }
0xa3: {  	[tilespmem:s31], [sflag:$0x2] =	stream.indirect_vreg.gather [hbm4b:s3+s1], $0x80, v4, vm0, $0xb8;
	[tilespmem:$0x19000] =	vst v63  }
0xa4: {  	v4 =	vld [tilespmem:$0xB0];
	_ =	sdelay $0x4  }
0xa5: {  	v5 =	vshll.u32 v4, $0x1  }
0xa6: {  	v4 =	vand.u32 $0x7, v4;
	v5 =	vand.u32 $0xFFFFFFF0, v5  }
0xa7: {  	v4 =	vor.u32 v4, v5  }
0xa8: {  	v5 =	vperm.xlane v4, v1;
	_ =	sdelay $0x1  }
0xa9: {  	v4 =	vperm.xlane v4, v3;
	v5 =	vadd.s32 v2, v5;
	_ =	sdelay $0x1  }
0xaa: {  	v4 =	vadd.s32 v2, v4;
	_ =	sdelay $0x1  }
0xab: {  	s12 =	simm.s32 $0xC000  }
0xac: {  	[tilespmem:s12], [sflag:$0x2] =	stream.indirect_vreg.gather [hbm4b:s3+s1], $0x80, v5, vm0, $0xb8;
	[tilespmem:$0x19000] =	vst v63  }
0xad: {  	s19 =	simm.s32 $0xC800  }
0xae: {  	[tilespmem:s19], [sflag:$0x2] =	stream.indirect_vreg.gather [hbm4b:s3+s1], $0x80, v4, vm0, $0xb8;
	[tilespmem:$0x19000] =	vst v63  }
0xaf: {  	v4 =	vld [tilespmem:$0xC0];
	_ =	sdelay $0x4  }
0xb0: {  	v5 =	vshll.u32 v4, $0x1  }
0xb1: {  	v4 =	vand.u32 $0x7, v4;
	v5 =	vand.u32 $0xFFFFFFF0, v5  }
0xb2: {  	v4 =	vor.u32 v4, v5  }
0xb3: {  	v5 =	vperm.xlane v4, v1;
	_ =	sdelay $0x1  }
0xb4: {  	v4 =	vperm.xlane v4, v3;
	v5 =	vadd.s32 v2, v5;
	_ =	sdelay $0x1  }
0xb5: {  	v4 =	vadd.s32 v2, v4;
	_ =	sdelay $0x1  }
0xb6: {  	s20 =	simm.s32 $0xD000  }
0xb7: {  	[tilespmem:s20], [sflag:$0x2] =	stream.indirect_vreg.gather [hbm4b:s3+s1], $0x80, v5, vm0, $0xb8;
	[tilespmem:$0x19000] =	vst v63  }
0xb8: {  	s21 =	simm.s32 $0xD800  }
0xb9: {  	[tilespmem:s21], [sflag:$0x2] =	stream.indirect_vreg.gather [hbm4b:s3+s1], $0x80, v4, vm0, $0xb8;
	[tilespmem:$0x19000] =	vst v63  }
0xba: {  	v4 =	vld [tilespmem:$0xD0];
	_ =	sdelay $0x4  }
0xbb: {  	v5 =	vshll.u32 v4, $0x1  }
0xbc: {  	v4 =	vand.u32 $0x7, v4;
	v5 =	vand.u32 $0xFFFFFFF0, v5  }
0xbd: {  	v4 =	vor.u32 v4, v5  }
0xbe: {  	v5 =	vperm.xlane v4, v1;
	_ =	sdelay $0x1  }
0xbf: {  	v4 =	vperm.xlane v4, v3;
	v5 =	vadd.s32 v2, v5;
	_ =	sdelay $0x1  }
0xc0: {  	v4 =	vadd.s32 v2, v4;
	_ =	sdelay $0x1  }
0xc1: {  	s22 =	simm.s32 $0xE000  }
0xc2: {  	[tilespmem:s22], [sflag:$0x2] =	stream.indirect_vreg.gather [hbm4b:s3+s1], $0x80, v5, vm0, $0xb8;
	[tilespmem:$0x19000] =	vst v63  }
0xc3: {  	s23 =	simm.s32 $0xE800  }
0xc4: {  	[tilespmem:s23], [sflag:$0x2] =	stream.indirect_vreg.gather [hbm4b:s3+s1], $0x80, v4, vm0, $0xb8;
	[tilespmem:$0x19000] =	vst v63  }
0xc5: {  	v4 =	vld [tilespmem:$0xE0];
	_ =	sdelay $0x4  }
0xc6: {  	v5 =	vshll.u32 v4, $0x1  }
0xc7: {  	v4 =	vand.u32 $0x7, v4;
	v5 =	vand.u32 $0xFFFFFFF0, v5  }
0xc8: {  	v4 =	vor.u32 v4, v5  }
0xc9: {  	v5 =	vperm.xlane v4, v1;
	_ =	sdelay $0x1  }
0xca: {  	v4 =	vperm.xlane v4, v3;
	v5 =	vadd.s32 v2, v5;
	_ =	sdelay $0x1  }
0xcb: {  	v4 =	vadd.s32 v2, v4;
	_ =	sdelay $0x1  }
0xcc: {  	s24 =	simm.s32 $0xF000  }
0xcd: {  	[tilespmem:s24], [sflag:$0x2] =	stream.indirect_vreg.gather [hbm4b:s3+s1], $0x80, v5, vm0, $0xb8;
	[tilespmem:$0x19000] =	vst v63  }
0xce: {  	s26 =	simm.s32 $0xF800  }
0xcf: {  	[tilespmem:s26], [sflag:$0x2] =	stream.indirect_vreg.gather [hbm4b:s3+s1], $0x80, v4, vm0, $0xb8;
	[tilespmem:$0x19000] =	vst v63  }
0xd0: {  	v4 =	vld [tilespmem:$0xF0];
	_ =	sdelay $0x4  }
0xd1: {  	v5 =	vshll.u32 v4, $0x1  }
0xd2: {  	v4 =	vand.u32 $0x7, v4;
	v5 =	vand.u32 $0xFFFFFFF0, v5  }
0xd3: {  	v4 =	vor.u32 v4, v5  }
0xd4: {  	v5 =	vperm.xlane v4, v1  }
0xd5: {  	s28 =	simm.s32 $0xA800  }
0xd6: {  	s29 =	simm.s32 $0x10800;
	s2 =	simm.s32 $0x5800;
	s4 =	simm.s32 $0x6000;
	v4 =	vperm.xlane v4, v3;
	v5 =	vadd.s32 v2, v5  }
0xd7: {  	s5 =	simm.s32 $0x6800;
	s6 =	simm.s32 $0x7000;
	s7 =	simm.s32 $0x7800  }
0xd8: {  	s8 =	simm.s32 $0x8000;
	s0 =	simm.s32 $0x5000;
	s10 =	simm.s32 $0x8800;
	v4 =	vadd.s32 v2, v4  }
0xd9: {  	s11 =	simm.s32 $0x9800;
	s30 =	simm.s32 $0x4000;
	s31 =	simm.s32 $0x10000  }
0xda: {  	s12 =	simm.s32 $0xA000;
	s19 =	simm.s32 $0x140;
	s20 =	simm.s32 $0x0  }
0xdb: {  	[tilespmem:s31], [sflag:$0x2] =	stream.indirect_vreg.gather [hbm4b:s3+s1], $0x80, v5, vm0, $0xb8;
	[tilespmem:$0x19000] =	vst v63  }
0xdc: {  	s23 =	simm.s32 $0xB000;
	s24 =	simm.s32 $0x2000;
	s26 =	simm.s32 $0x2800  }
0xdd: {  	[tilespmem:s29], [sflag:$0x2] =	stream.indirect_vreg.gather [hbm4b:s3+s1], $0x80, v4, vm0, $0xb8;
	[tilespmem:$0x19000] =	vst v63  }
.LBB2_2:
0xde: {  	_ =	swait.ge [sflag:s13], $0x8000  }
0xdf: {  	p0 =	seq.s32 s20, $0x0;
	[sflag:s13] =	ssyncset.done $0x0  }
0xe0: {  	s21 =	simm.s32 @!p0 $0x6;
	[sflag:s13] =	ssyncadd.s32 $0xFFFF8000  }
0xe1: {  	_ =	swait.ge @!p0 [sflag:s21], $0x8000  }
0xe2: {  	[sflag:s21] =	ssyncset.done @!p0 $0x0  }
0xe3: {  	[sflag:s21] =	ssyncadd.s32 @!p0 $0xFFFF8000  }
0xe4: {  	v5 =	vld [tilespmem:s19+$0xFFFFFFD0];
	_ =	sdelay $0x4  }
0xe5: {  	v5 =	vadd.s32 v0, v5  }
0xe6: {  	[tilespmem:s19+$0xFFFFFFD0] =	vst v5;
	v5 =	vld [tilespmem:s19+$0xFFFFFFE0];
	_ =	sdelay $0x4  }
0xe7: {  	v5 =	vadd.s32 v0, v5  }
0xe8: {  	[tilespmem:s19+$0xFFFFFFE0] =	vst v5;
	v5 =	vld [tilespmem:s19+$0xFFFFFFF0];
	_ =	sdelay $0x4  }
0xe9: {  	v5 =	vadd.s32 v0, v5  }
0xea: {  	[tilespmem:s19+$0xFFFFFFF0] =	vst v5;
	v5 =	vld [tilespmem:s19+$0x0];
	_ =	sdelay $0x4  }
0xeb: {  	v5 =	vadd.s32 v0, v5  }
0xec: {  	[tilespmem:s19+$0x0] =	vst v5;
	v5 =	vld [tilespmem:s19+$0x10];
	_ =	sdelay $0x2  }
0xed: {  	v4 =	vld [tilespmem:s19+$0xFFFFFFC0];
	_ =	sdelay $0x1  }
0xee: {  	v5 =	vadd.s32 v0, v5  }
0xef: {  	[tilespmem:s19+$0x10] =	vst v5;
	v5 =	vld [tilespmem:s19+$0x20];
	_ =	sdelay $0x1  }
0xf0: {  	v4 =	vadd.s32 v0, v4  }
0xf1: {  	v6 =	vshll.u32 v4, $0x1  }
0xf2: {  	[tilespmem:s19+$0xFFFFFFC0] =	vst v4;
	v4 =	vand.u32 $0x7, v4;
	v6 =	vand.u32 $0xFFFFFFF0, v6  }
0xf3: {  	v4 =	vor.u32 v4, v6;
	v5 =	vadd.s32 v0, v5  }
0xf4: {  	v6 =	vperm.xlane v4, v1;
	[tilespmem:s19+$0x20] =	vst v5;
	v5 =	vld [tilespmem:s19+$0x30];
	_ =	sdelay $0x1  }
0xf5: {  	v4 =	vperm.xlane v4, v3;
	v6 =	vadd.s32 v2, v6;
	_ =	sdelay $0x1  }
0xf6: {  	v4 =	vadd.s32 v2, v4  }
0xf7: {  	v5 =	vadd.s32 v0, v5  }
0xf8: {  	[tilespmem:s19+$0x30] =	vst v5  }
0xf9: {  	[tilespmem:s14], [sflag:$0x3] =	stream.indirect_vreg.gather [hbm4b:s3+s1], $0x80, v6, vm0, $0xb8;
	[tilespmem:$0x19000] =	vst v63  }
0xfa: {  	s22 =	rddreg [dreg:$0x5]  }
0xfb: {  	[tilespmem:s22], [sflag:$0x3] =	stream.indirect_vreg.gather [hbm4b:s3+s1], $0x80, v4, vm0, $0xb8;
	[tilespmem:$0x19000] =	vst v63  }
0xfc: {  	v4 =	vld [tilespmem:s19+$0xFFFFFFD0];
	_ =	sdelay $0x4  }
0xfd: {  	v5 =	vshll.u32 v4, $0x1  }
0xfe: {  	v4 =	vand.u32 $0x7, v4;
	v5 =	vand.u32 $0xFFFFFFF0, v5  }
0xff: {  	v4 =	vor.u32 v4, v5  }
0x100: {  	v5 =	vperm.xlane v4, v1;
	_ =	sdelay $0x1  }
0x101: {  	v4 =	vperm.xlane v4, v3;
	v5 =	vadd.s32 v2, v5;
	_ =	sdelay $0x1  }
0x102: {  	v4 =	vadd.s32 v2, v4;
	_ =	sdelay $0x1  }
0x103: {  	s21 =	rddreg [dreg:$0x6]  }
0x104: {  	[tilespmem:s21], [sflag:$0x3] =	stream.indirect_vreg.gather [hbm4b:s3+s1], $0x80, v5, vm0, $0xb8;
	[tilespmem:$0x19000] =	vst v63  }
0x105: {  	s22 =	rddreg [dreg:$0x7]  }
0x106: {  	[tilespmem:s22], [sflag:$0x3] =	stream.indirect_vreg.gather [hbm4b:s3+s1], $0x80, v4, vm0, $0xb8;
	[tilespmem:$0x19000] =	vst v63  }
0x107: {  	v4 =	vld [tilespmem:s19+$0xFFFFFFE0];
	_ =	sdelay $0x4  }
0x108: {  	v5 =	vshll.u32 v4, $0x1  }
0x109: {  	v4 =	vand.u32 $0x7, v4;
	v5 =	vand.u32 $0xFFFFFFF0, v5  }
0x10a: {  	v4 =	vor.u32 v4, v5  }
0x10b: {  	v5 =	vperm.xlane v4, v1;
	_ =	sdelay $0x1  }
0x10c: {  	v4 =	vperm.xlane v4, v3;
	v5 =	vadd.s32 v2, v5;
	_ =	sdelay $0x1  }
0x10d: {  	v4 =	vadd.s32 v2, v4;
	_ =	sdelay $0x1  }
0x10e: {  	s21 =	rddreg [dreg:$0x8]  }
0x10f: {  	[tilespmem:s21], [sflag:$0x3] =	stream.indirect_vreg.gather [hbm4b:s3+s1], $0x80, v5, vm0, $0xb8;
	[tilespmem:$0x19000] =	vst v63  }
0x110: {  	s22 =	rddreg [dreg:$0x9]  }
0x111: {  	[tilespmem:s22], [sflag:$0x3] =	stream.indirect_vreg.gather [hbm4b:s3+s1], $0x80, v4, vm0, $0xb8;
	[tilespmem:$0x19000] =	vst v63  }
0x112: {  	v4 =	vld [tilespmem:s19+$0xFFFFFFF0];
	_ =	sdelay $0x4  }
0x113: {  	v5 =	vshll.u32 v4, $0x1  }
0x114: {  	v4 =	vand.u32 $0x7, v4;
	v5 =	vand.u32 $0xFFFFFFF0, v5  }
0x115: {  	v4 =	vor.u32 v4, v5  }
0x116: {  	v5 =	vperm.xlane v4, v1;
	_ =	sdelay $0x1  }
0x117: {  	v4 =	vperm.xlane v4, v3;
	v5 =	vadd.s32 v2, v5;
	_ =	sdelay $0x1  }
0x118: {  	v4 =	vadd.s32 v2, v4;
	_ =	sdelay $0x1  }
0x119: {  	s21 =	rddreg [dreg:$0xa]  }
0x11a: {  	[tilespmem:s21], [sflag:$0x3] =	stream.indirect_vreg.gather [hbm4b:s3+s1], $0x80, v5, vm0, $0xb8;
	[tilespmem:$0x19000] =	vst v63  }
0x11b: {  	s22 =	rddreg [dreg:$0xb]  }
0x11c: {  	[tilespmem:s22], [sflag:$0x3] =	stream.indirect_vreg.gather [hbm4b:s3+s1], $0x80, v4, vm0, $0xb8;
	[tilespmem:$0x19000] =	vst v63  }
0x11d: {  	v4 =	vld [tilespmem:s19+$0x0];
	_ =	sdelay $0x4  }
0x11e: {  	v5 =	vshll.u32 v4, $0x1  }
0x11f: {  	v4 =	vand.u32 $0x7, v4;
	v5 =	vand.u32 $0xFFFFFFF0, v5  }
0x120: {  	v4 =	vor.u32 v4, v5  }
0x121: {  	v5 =	vperm.xlane v4, v1;
	_ =	sdelay $0x1  }
0x122: {  	v4 =	vperm.xlane v4, v3;
	v5 =	vadd.s32 v2, v5;
	_ =	sdelay $0x1  }
0x123: {  	v4 =	vadd.s32 v2, v4;
	_ =	sdelay $0x1  }
0x124: {  	s21 =	rddreg [dreg:$0xc]  }
0x125: {  	[tilespmem:s21], [sflag:$0x3] =	stream.indirect_vreg.gather [hbm4b:s3+s1], $0x80, v5, vm0, $0xb8;
	[tilespmem:$0x19000] =	vst v63  }
0x126: {  	s22 =	rddreg [dreg:$0xd]  }
0x127: {  	[tilespmem:s22], [sflag:$0x3] =	stream.indirect_vreg.gather [hbm4b:s3+s1], $0x80, v4, vm0, $0xb8;
	[tilespmem:$0x19000] =	vst v63  }
0x128: {  	v4 =	vld [tilespmem:s19+$0x10];
	_ =	sdelay $0x4  }
0x129: {  	v5 =	vshll.u32 v4, $0x1  }
0x12a: {  	v4 =	vand.u32 $0x7, v4;
	v5 =	vand.u32 $0xFFFFFFF0, v5  }
0x12b: {  	v4 =	vor.u32 v4, v5  }
0x12c: {  	v5 =	vperm.xlane v4, v1;
	_ =	sdelay $0x1  }
0x12d: {  	v4 =	vperm.xlane v4, v3;
	v5 =	vadd.s32 v2, v5;
	_ =	sdelay $0x1  }
0x12e: {  	v4 =	vadd.s32 v2, v4;
	_ =	sdelay $0x1  }
0x12f: {  	s21 =	rddreg [dreg:$0xe]  }
0x130: {  	[tilespmem:s21], [sflag:$0x3] =	stream.indirect_vreg.gather [hbm4b:s3+s1], $0x80, v5, vm0, $0xb8;
	[tilespmem:$0x19000] =	vst v63  }
0x131: {  	s22 =	rddreg [dreg:$0xf]  }
0x132: {  	[tilespmem:s22], [sflag:$0x3] =	stream.indirect_vreg.gather [hbm4b:s3+s1], $0x80, v4, vm0, $0xb8;
	[tilespmem:$0x19000] =	vst v63  }
0x133: {  	v4 =	vld [tilespmem:s19+$0x20];
	_ =	sdelay $0x4  }
0x134: {  	v5 =	vshll.u32 v4, $0x1  }
0x135: {  	v4 =	vand.u32 $0x7, v4;
	v5 =	vand.u32 $0xFFFFFFF0, v5  }
0x136: {  	v4 =	vor.u32 v4, v5  }
0x137: {  	v5 =	vperm.xlane v4, v1;
	_ =	sdelay $0x1  }
0x138: {  	v4 =	vperm.xlane v4, v3;
	v5 =	vadd.s32 v2, v5;
	_ =	sdelay $0x1  }
0x139: {  	v4 =	vadd.s32 v2, v4;
	_ =	sdelay $0x1  }
0x13a: {  	s21 =	rddreg [dreg:$0x10]  }
0x13b: {  	[tilespmem:s21], [sflag:$0x3] =	stream.indirect_vreg.gather [hbm4b:s3+s1], $0x80, v5, vm0, $0xb8;
	[tilespmem:$0x19000] =	vst v63  }
0x13c: {  	s22 =	rddreg [dreg:$0x11]  }
0x13d: {  	[tilespmem:s22], [sflag:$0x3] =	stream.indirect_vreg.gather [hbm4b:s3+s1], $0x80, v4, vm0, $0xb8;
	[tilespmem:$0x19000] =	vst v63  }
0x13e: {  	v4 =	vld [tilespmem:s19+$0x30];
	_ =	sdelay $0x4  }
0x13f: {  	v5 =	vshll.u32 v4, $0x1  }
0x140: {  	v4 =	vand.u32 $0x7, v4;
	v5 =	vand.u32 $0xFFFFFFF0, v5  }
0x141: {  	v4 =	vor.u32 v4, v5  }
0x142: {  	v5 =	vperm.xlane v4, v1;
	_ =	sdelay $0x1  }
0x143: {  	v4 =	vperm.xlane v4, v3;
	v5 =	vadd.s32 v2, v5;
	_ =	sdelay $0x1  }
0x144: {  	v4 =	vadd.s32 v2, v4  }
0x145: {  	s21 =	rddreg [dreg:$0x13]  }
0x146: {  	s22 =	rddreg [dreg:$0x12]  }
0x147: {  	[tilespmem:s22], [sflag:$0x3] =	stream.indirect_vreg.gather [hbm4b:s3+s1], $0x80, v5, vm0, $0xb8;
	[tilespmem:$0x19000] =	vst v63  }
0x148: {  	s22 =	rddreg [dreg:$0x4]  }
0x149: {  	[tilespmem:s21], [sflag:$0x3] =	stream.indirect_vreg.gather [hbm4b:s3+s1], $0x80, v4, vm0, $0xb8;
	[tilespmem:$0x19000] =	vst v63  }
0x14a: {  	s21 =	sadd.s32 s20, s22  }
0x14b: {  	[hbm4b:s21+s1] =	stream.linear.scatter [tilespmem:s9], [sflag:$0x4], $0x8000, $0x38;
	[tilespmem:$0x19000] =	vst v63  }
0x14c: {  	_ =	swait.ge [sflag:s15], $0x8000  }
0x14d: {  	[sflag:s15] =	ssyncset.done $0x0  }
0x14e: {  	[sflag:s15] =	ssyncadd.s32 $0xFFFF8000  }
0x14f: {  	_ =	swait.ge [sflag:s16], $0x8000  }
0x150: {  	[sflag:s16] =	ssyncset.done $0x0  }
0x151: {  	[sflag:s16] =	ssyncadd.s32 $0xFFFF8000  }
0x152: {  	v5 =	vld [tilespmem:s19+$0x50];
	_ =	sdelay $0x4  }
0x153: {  	v5 =	vadd.s32 v0, v5  }
0x154: {  	[tilespmem:s19+$0x50] =	vst v5;
	v5 =	vld [tilespmem:s19+$0x60];
	_ =	sdelay $0x4  }
0x155: {  	v5 =	vadd.s32 v0, v5  }
0x156: {  	[tilespmem:s19+$0x60] =	vst v5;
	v5 =	vld [tilespmem:s19+$0x70];
	_ =	sdelay $0x4  }
0x157: {  	v5 =	vadd.s32 v0, v5  }
0x158: {  	[tilespmem:s19+$0x70] =	vst v5;
	v5 =	vld [tilespmem:s19+$0x80];
	_ =	sdelay $0x4  }
0x159: {  	v5 =	vadd.s32 v0, v5  }
0x15a: {  	[tilespmem:s19+$0x80] =	vst v5;
	v5 =	vld [tilespmem:s19+$0x90];
	_ =	sdelay $0x2  }
0x15b: {  	v4 =	vld [tilespmem:s19+$0x40];
	_ =	sdelay $0x1  }
0x15c: {  	v5 =	vadd.s32 v0, v5  }
0x15d: {  	[tilespmem:s19+$0x90] =	vst v5;
	v5 =	vld [tilespmem:s19+$0xA0];
	_ =	sdelay $0x1  }
0x15e: {  	v4 =	vadd.s32 v0, v4  }
0x15f: {  	v62 =	vshll.u32 v4, $0x1  }
0x160: {  	[tilespmem:s19+$0x40] =	vst v4;
	v4 =	vand.u32 $0x7, v4;
	v6 =	vand.u32 $0xFFFFFFF0, v62  }
0x161: {  	v4 =	vor.u32 v4, v6;
	v5 =	vadd.s32 v0, v5  }
0x162: {  	v6 =	vperm.xlane v4, v1;
	[tilespmem:s19+$0xA0] =	vst v5;
	v5 =	vld [tilespmem:s19+$0xB0];
	_ =	sdelay $0x1  }
0x163: {  	v4 =	vperm.xlane v4, v3;
	v6 =	vadd.s32 v2, v6;
	_ =	sdelay $0x1  }
0x164: {  	v4 =	vadd.s32 v2, v4  }
0x165: {  	v5 =	vadd.s32 v0, v5  }
0x166: {  	[tilespmem:s19+$0xB0] =	vst v5  }
0x167: {  	[tilespmem:s9], [sflag:$0x1] =	stream.indirect_vreg.gather [hbm4b:s3+s1], $0x80, v6, vm0, $0xb8;
	[tilespmem:$0x19000] =	vst v63  }
0x168: {  	s22 =	simm.s32 $0x1800  }
0x169: {  	[tilespmem:s22], [sflag:$0x1] =	stream.indirect_vreg.gather [hbm4b:s3+s1], $0x80, v4, vm0, $0xb8;
	[tilespmem:$0x19000] =	vst v63  }
0x16a: {  	v4 =	vld [tilespmem:s19+$0x50];
	_ =	sdelay $0x4  }
0x16b: {  	v5 =	vshll.u32 v4, $0x1  }
0x16c: {  	v4 =	vand.u32 $0x7, v4;
	v5 =	vand.u32 $0xFFFFFFF0, v5  }
0x16d: {  	v4 =	vor.u32 v4, v5  }
0x16e: {  	v5 =	vperm.xlane v4, v1;
	_ =	sdelay $0x1  }
0x16f: {  	v4 =	vperm.xlane v4, v3;
	v5 =	vadd.s32 v2, v5;
	_ =	sdelay $0x1  }
0x170: {  	v4 =	vadd.s32 v2, v4;
	_ =	sdelay $0x2  }
0x171: {  	[tilespmem:s24], [sflag:$0x1] =	stream.indirect_vreg.gather [hbm4b:s3+s1], $0x80, v5, vm0, $0xb8;
	[tilespmem:$0x19000] =	vst v63  }
0x172: {  	_ = 	snop  }
0x173: {  	[tilespmem:s26], [sflag:$0x1] =	stream.indirect_vreg.gather [hbm4b:s3+s1], $0x80, v4, vm0, $0xb8;
	[tilespmem:$0x19000] =	vst v63  }
0x174: {  	v4 =	vld [tilespmem:s19+$0x60];
	_ =	sdelay $0x4  }
0x175: {  	v5 =	vshll.u32 v4, $0x1  }
0x176: {  	v4 =	vand.u32 $0x7, v4;
	v5 =	vand.u32 $0xFFFFFFF0, v5  }
0x177: {  	v4 =	vor.u32 v4, v5  }
0x178: {  	v5 =	vperm.xlane v4, v1;
	_ =	sdelay $0x1  }
0x179: {  	v4 =	vperm.xlane v4, v3;
	v5 =	vadd.s32 v2, v5;
	_ =	sdelay $0x1  }
0x17a: {  	v4 =	vadd.s32 v2, v4;
	_ =	sdelay $0x1  }
0x17b: {  	s22 =	simm.s32 $0x3000  }
0x17c: {  	[tilespmem:s22], [sflag:$0x1] =	stream.indirect_vreg.gather [hbm4b:s3+s1], $0x80, v5, vm0, $0xb8;
	[tilespmem:$0x19000] =	vst v63  }
0x17d: {  	s22 =	simm.s32 $0x3800  }
0x17e: {  	[tilespmem:s22], [sflag:$0x1] =	stream.indirect_vreg.gather [hbm4b:s3+s1], $0x80, v4, vm0, $0xb8;
	[tilespmem:$0x19000] =	vst v63  }
0x17f: {  	v4 =	vld [tilespmem:s19+$0x70];
	_ =	sdelay $0x4  }
0x180: {  	v5 =	vshll.u32 v4, $0x1  }
0x181: {  	v4 =	vand.u32 $0x7, v4;
	v5 =	vand.u32 $0xFFFFFFF0, v5  }
0x182: {  	v4 =	vor.u32 v4, v5  }
0x183: {  	v5 =	vperm.xlane v4, v1;
	_ =	sdelay $0x1  }
0x184: {  	v4 =	vperm.xlane v4, v3;
	v5 =	vadd.s32 v2, v5;
	_ =	sdelay $0x1  }
0x185: {  	v4 =	vadd.s32 v2, v4;
	_ =	sdelay $0x2  }
0x186: {  	[tilespmem:s30], [sflag:$0x1] =	stream.indirect_vreg.gather [hbm4b:s3+s1], $0x80, v5, vm0, $0xb8;
	[tilespmem:$0x19000] =	vst v63  }
0x187: {  	s22 =	simm.s32 $0x4800  }
0x188: {  	[tilespmem:s22], [sflag:$0x1] =	stream.indirect_vreg.gather [hbm4b:s3+s1], $0x80, v4, vm0, $0xb8;
	[tilespmem:$0x19000] =	vst v63  }
0x189: {  	v4 =	vld [tilespmem:s19+$0x80];
	_ =	sdelay $0x4  }
0x18a: {  	v5 =	vshll.u32 v4, $0x1  }
0x18b: {  	v4 =	vand.u32 $0x7, v4;
	v5 =	vand.u32 $0xFFFFFFF0, v5  }
0x18c: {  	v4 =	vor.u32 v4, v5  }
0x18d: {  	v5 =	vperm.xlane v4, v1;
	_ =	sdelay $0x1  }
0x18e: {  	v4 =	vperm.xlane v4, v3;
	v5 =	vadd.s32 v2, v5;
	_ =	sdelay $0x1  }
0x18f: {  	v4 =	vadd.s32 v2, v4;
	_ =	sdelay $0x2  }
0x190: {  	[tilespmem:s0], [sflag:$0x1] =	stream.indirect_vreg.gather [hbm4b:s3+s1], $0x80, v5, vm0, $0xb8;
	[tilespmem:$0x19000] =	vst v63  }
0x191: {  	_ = 	snop  }
0x192: {  	[tilespmem:s2], [sflag:$0x1] =	stream.indirect_vreg.gather [hbm4b:s3+s1], $0x80, v4, vm0, $0xb8;
	[tilespmem:$0x19000] =	vst v63  }
0x193: {  	v4 =	vld [tilespmem:s19+$0x90];
	_ =	sdelay $0x4  }
0x194: {  	v5 =	vshll.u32 v4, $0x1  }
0x195: {  	v4 =	vand.u32 $0x7, v4;
	v5 =	vand.u32 $0xFFFFFFF0, v5  }
0x196: {  	v4 =	vor.u32 v4, v5  }
0x197: {  	v5 =	vperm.xlane v4, v1;
	_ =	sdelay $0x1  }
0x198: {  	v4 =	vperm.xlane v4, v3;
	v5 =	vadd.s32 v2, v5;
	_ =	sdelay $0x1  }
0x199: {  	v4 =	vadd.s32 v2, v4;
	_ =	sdelay $0x2  }
0x19a: {  	[tilespmem:s4], [sflag:$0x1] =	stream.indirect_vreg.gather [hbm4b:s3+s1], $0x80, v5, vm0, $0xb8;
	[tilespmem:$0x19000] =	vst v63  }
0x19b: {  	_ = 	snop  }
0x19c: {  	[tilespmem:s5], [sflag:$0x1] =	stream.indirect_vreg.gather [hbm4b:s3+s1], $0x80, v4, vm0, $0xb8;
	[tilespmem:$0x19000] =	vst v63  }
0x19d: {  	v4 =	vld [tilespmem:s19+$0xA0];
	_ =	sdelay $0x4  }
0x19e: {  	v5 =	vshll.u32 v4, $0x1  }
0x19f: {  	v4 =	vand.u32 $0x7, v4;
	v5 =	vand.u32 $0xFFFFFFF0, v5  }
0x1a0: {  	v4 =	vor.u32 v4, v5  }
0x1a1: {  	v5 =	vperm.xlane v4, v1;
	_ =	sdelay $0x1  }
0x1a2: {  	v4 =	vperm.xlane v4, v3;
	v5 =	vadd.s32 v2, v5;
	_ =	sdelay $0x1  }
0x1a3: {  	v4 =	vadd.s32 v2, v4;
	_ =	sdelay $0x2  }
0x1a4: {  	[tilespmem:s6], [sflag:$0x1] =	stream.indirect_vreg.gather [hbm4b:s3+s1], $0x80, v5, vm0, $0xb8;
	[tilespmem:$0x19000] =	vst v63  }
0x1a5: {  	_ = 	snop  }
0x1a6: {  	[tilespmem:s7], [sflag:$0x1] =	stream.indirect_vreg.gather [hbm4b:s3+s1], $0x80, v4, vm0, $0xb8;
	[tilespmem:$0x19000] =	vst v63  }
0x1a7: {  	v4 =	vld [tilespmem:s19+$0xB0];
	_ =	sdelay $0x4  }
0x1a8: {  	v5 =	vshll.u32 v4, $0x1  }
0x1a9: {  	v4 =	vand.u32 $0x7, v4;
	v5 =	vand.u32 $0xFFFFFFF0, v5  }
0x1aa: {  	v4 =	vor.u32 v4, v5  }
0x1ab: {  	v5 =	vperm.xlane v4, v1;
	_ =	sdelay $0x1  }
0x1ac: {  	v4 =	vperm.xlane v4, v3;
	v5 =	vadd.s32 v2, v5;
	_ =	sdelay $0x1  }
0x1ad: {  	v4 =	vadd.s32 v2, v4;
	_ =	sdelay $0x2  }
0x1ae: {  	[tilespmem:s8], [sflag:$0x1] =	stream.indirect_vreg.gather [hbm4b:s3+s1], $0x80, v5, vm0, $0xb8;
	[tilespmem:$0x19000] =	vst v63  }
0x1af: {  	_ = 	snop  }
0x1b0: {  	[tilespmem:s10], [sflag:$0x1] =	stream.indirect_vreg.gather [hbm4b:s3+s1], $0x80, v4, vm0, $0xb8;
	[tilespmem:$0x19000] =	vst v63  }
0x1b1: {  	s22 =	sadd.s32 $0x1000, s21  }
0x1b2: {  	[hbm4b:s22+s1] =	stream.linear.scatter [tilespmem:s25], [sflag:$0x5], $0x8000, $0x38;
	[tilespmem:$0x19000] =	vst v63  }
0x1b3: {  	_ =	swait.ge [sflag:s17], $0x8000  }
0x1b4: {  	[sflag:s17] =	ssyncset.done $0x0  }
0x1b5: {  	[sflag:s17] =	ssyncadd.s32 $0xFFFF8000  }
0x1b6: {  	_ =	swait.ge [sflag:s18], $0x8000  }
0x1b7: {  	[sflag:s18] =	ssyncset.done $0x0  }
0x1b8: {  	[sflag:s18] =	ssyncadd.s32 $0xFFFF8000  }
0x1b9: {  	v5 =	vld [tilespmem:s19+$0xD0];
	_ =	sdelay $0x4  }
0x1ba: {  	v5 =	vadd.s32 v0, v5  }
0x1bb: {  	[tilespmem:s19+$0xD0] =	vst v5;
	v5 =	vld [tilespmem:s19+$0xE0];
	_ =	sdelay $0x4  }
0x1bc: {  	v5 =	vadd.s32 v0, v5  }
0x1bd: {  	[tilespmem:s19+$0xE0] =	vst v5;
	v5 =	vld [tilespmem:s19+$0xF0];
	_ =	sdelay $0x4  }
0x1be: {  	v5 =	vadd.s32 v0, v5  }
0x1bf: {  	[tilespmem:s19+$0xF0] =	vst v5;
	v5 =	vld [tilespmem:s19+$0x100];
	_ =	sdelay $0x4  }
0x1c0: {  	v5 =	vadd.s32 v0, v5  }
0x1c1: {  	[tilespmem:s19+$0x100] =	vst v5;
	v5 =	vld [tilespmem:s19+$0x110];
	_ =	sdelay $0x2  }
0x1c2: {  	v4 =	vld [tilespmem:s19+$0xC0];
	_ =	sdelay $0x1  }
0x1c3: {  	v5 =	vadd.s32 v0, v5  }
0x1c4: {  	[tilespmem:s19+$0x110] =	vst v5;
	v5 =	vld [tilespmem:s19+$0x120];
	_ =	sdelay $0x1  }
0x1c5: {  	v4 =	vadd.s32 v0, v4  }
0x1c6: {  	v63 =	vshll.u32 v4, $0x1  }
0x1c7: {  	[tilespmem:s19+$0xC0] =	vst v4;
	v4 =	vand.u32 $0x7, v4;
	v6 =	vand.u32 $0xFFFFFFF0, v63  }
0x1c8: {  	v4 =	vor.u32 v4, v6;
	v5 =	vadd.s32 v0, v5  }
0x1c9: {  	v6 =	vperm.xlane v4, v1;
	[tilespmem:s19+$0x120] =	vst v5;
	v5 =	vld [tilespmem:s19+$0x130];
	_ =	sdelay $0x1  }
0x1ca: {  	v4 =	vperm.xlane v4, v3;
	v6 =	vadd.s32 v2, v6;
	_ =	sdelay $0x1  }
0x1cb: {  	v4 =	vadd.s32 v2, v4  }
0x1cc: {  	v5 =	vadd.s32 v0, v5  }
0x1cd: {  	[tilespmem:s19+$0x130] =	vst v5  }
0x1ce: {  	[tilespmem:s25], [sflag:$0x2] =	stream.indirect_vreg.gather [hbm4b:s3+s1], $0x80, v6, vm0, $0xb8;
	[tilespmem:$0x19000] =	vst v63  }
0x1cf: {  	_ = 	snop  }
0x1d0: {  	[tilespmem:s11], [sflag:$0x2] =	stream.indirect_vreg.gather [hbm4b:s3+s1], $0x80, v4, vm0, $0xb8;
	[tilespmem:$0x19000] =	vst v63  }
0x1d1: {  	v4 =	vld [tilespmem:s19+$0xD0];
	_ =	sdelay $0x4  }
0x1d2: {  	v5 =	vshll.u32 v4, $0x1  }
0x1d3: {  	v4 =	vand.u32 $0x7, v4;
	v5 =	vand.u32 $0xFFFFFFF0, v5  }
0x1d4: {  	v4 =	vor.u32 v4, v5  }
0x1d5: {  	v5 =	vperm.xlane v4, v1;
	_ =	sdelay $0x1  }
0x1d6: {  	v4 =	vperm.xlane v4, v3;
	v5 =	vadd.s32 v2, v5;
	_ =	sdelay $0x1  }
0x1d7: {  	v4 =	vadd.s32 v2, v4;
	_ =	sdelay $0x2  }
0x1d8: {  	[tilespmem:s12], [sflag:$0x2] =	stream.indirect_vreg.gather [hbm4b:s3+s1], $0x80, v5, vm0, $0xb8;
	[tilespmem:$0x19000] =	vst v63  }
0x1d9: {  	_ = 	snop  }
0x1da: {  	[tilespmem:s28], [sflag:$0x2] =	stream.indirect_vreg.gather [hbm4b:s3+s1], $0x80, v4, vm0, $0xb8;
	[tilespmem:$0x19000] =	vst v63  }
0x1db: {  	v4 =	vld [tilespmem:s19+$0xE0];
	_ =	sdelay $0x4  }
0x1dc: {  	v5 =	vshll.u32 v4, $0x1  }
0x1dd: {  	v4 =	vand.u32 $0x7, v4;
	v5 =	vand.u32 $0xFFFFFFF0, v5  }
0x1de: {  	v4 =	vor.u32 v4, v5  }
0x1df: {  	v5 =	vperm.xlane v4, v1;
	_ =	sdelay $0x1  }
0x1e0: {  	v4 =	vperm.xlane v4, v3;
	v5 =	vadd.s32 v2, v5;
	_ =	sdelay $0x1  }
0x1e1: {  	v4 =	vadd.s32 v2, v4;
	_ =	sdelay $0x2  }
0x1e2: {  	[tilespmem:s23], [sflag:$0x2] =	stream.indirect_vreg.gather [hbm4b:s3+s1], $0x80, v5, vm0, $0xb8;
	[tilespmem:$0x19000] =	vst v63  }
0x1e3: {  	s22 =	simm.s32 $0xB800  }
0x1e4: {  	[tilespmem:s22], [sflag:$0x2] =	stream.indirect_vreg.gather [hbm4b:s3+s1], $0x80, v4, vm0, $0xb8;
	[tilespmem:$0x19000] =	vst v63  }
0x1e5: {  	v4 =	vld [tilespmem:s19+$0xF0];
	_ =	sdelay $0x4  }
0x1e6: {  	v5 =	vshll.u32 v4, $0x1  }
0x1e7: {  	v4 =	vand.u32 $0x7, v4;
	v5 =	vand.u32 $0xFFFFFFF0, v5  }
0x1e8: {  	v4 =	vor.u32 v4, v5  }
0x1e9: {  	v5 =	vperm.xlane v4, v1;
	_ =	sdelay $0x1  }
0x1ea: {  	v4 =	vperm.xlane v4, v3;
	v5 =	vadd.s32 v2, v5;
	_ =	sdelay $0x1  }
0x1eb: {  	v4 =	vadd.s32 v2, v4;
	_ =	sdelay $0x1  }
0x1ec: {  	s22 =	simm.s32 $0xC000  }
0x1ed: {  	[tilespmem:s22], [sflag:$0x2] =	stream.indirect_vreg.gather [hbm4b:s3+s1], $0x80, v5, vm0, $0xb8;
	[tilespmem:$0x19000] =	vst v63  }
0x1ee: {  	s22 =	simm.s32 $0xC800  }
0x1ef: {  	[tilespmem:s22], [sflag:$0x2] =	stream.indirect_vreg.gather [hbm4b:s3+s1], $0x80, v4, vm0, $0xb8;
	[tilespmem:$0x19000] =	vst v63  }
0x1f0: {  	v4 =	vld [tilespmem:s19+$0x100];
	_ =	sdelay $0x4  }
0x1f1: {  	v5 =	vshll.u32 v4, $0x1  }
0x1f2: {  	v4 =	vand.u32 $0x7, v4;
	v5 =	vand.u32 $0xFFFFFFF0, v5  }
0x1f3: {  	v4 =	vor.u32 v4, v5  }
0x1f4: {  	v5 =	vperm.xlane v4, v1;
	_ =	sdelay $0x1  }
0x1f5: {  	v4 =	vperm.xlane v4, v3;
	v5 =	vadd.s32 v2, v5;
	_ =	sdelay $0x1  }
0x1f6: {  	v4 =	vadd.s32 v2, v4;
	_ =	sdelay $0x1  }
0x1f7: {  	s22 =	simm.s32 $0xD000  }
0x1f8: {  	[tilespmem:s22], [sflag:$0x2] =	stream.indirect_vreg.gather [hbm4b:s3+s1], $0x80, v5, vm0, $0xb8;
	[tilespmem:$0x19000] =	vst v63  }
0x1f9: {  	s22 =	simm.s32 $0xD800  }
0x1fa: {  	[tilespmem:s22], [sflag:$0x2] =	stream.indirect_vreg.gather [hbm4b:s3+s1], $0x80, v4, vm0, $0xb8;
	[tilespmem:$0x19000] =	vst v63  }
0x1fb: {  	v4 =	vld [tilespmem:s19+$0x110];
	_ =	sdelay $0x4  }
0x1fc: {  	v5 =	vshll.u32 v4, $0x1  }
0x1fd: {  	v4 =	vand.u32 $0x7, v4;
	v5 =	vand.u32 $0xFFFFFFF0, v5  }
0x1fe: {  	v4 =	vor.u32 v4, v5  }
0x1ff: {  	v5 =	vperm.xlane v4, v1;
	_ =	sdelay $0x1  }
0x200: {  	v4 =	vperm.xlane v4, v3;
	v5 =	vadd.s32 v2, v5;
	_ =	sdelay $0x1  }
0x201: {  	v4 =	vadd.s32 v2, v4;
	_ =	sdelay $0x1  }
0x202: {  	s22 =	simm.s32 $0xE000  }
0x203: {  	[tilespmem:s22], [sflag:$0x2] =	stream.indirect_vreg.gather [hbm4b:s3+s1], $0x80, v5, vm0, $0xb8;
	[tilespmem:$0x19000] =	vst v63  }
0x204: {  	s22 =	simm.s32 $0xE800  }
0x205: {  	[tilespmem:s22], [sflag:$0x2] =	stream.indirect_vreg.gather [hbm4b:s3+s1], $0x80, v4, vm0, $0xb8;
	[tilespmem:$0x19000] =	vst v63  }
0x206: {  	v4 =	vld [tilespmem:s19+$0x120];
	_ =	sdelay $0x4  }
0x207: {  	v5 =	vshll.u32 v4, $0x1  }
0x208: {  	v4 =	vand.u32 $0x7, v4;
	v5 =	vand.u32 $0xFFFFFFF0, v5  }
0x209: {  	v4 =	vor.u32 v4, v5  }
0x20a: {  	v5 =	vperm.xlane v4, v1;
	_ =	sdelay $0x1  }
0x20b: {  	v4 =	vperm.xlane v4, v3;
	v5 =	vadd.s32 v2, v5;
	_ =	sdelay $0x1  }
0x20c: {  	v4 =	vadd.s32 v2, v4;
	_ =	sdelay $0x1  }
0x20d: {  	s22 =	simm.s32 $0xF000  }
0x20e: {  	[tilespmem:s22], [sflag:$0x2] =	stream.indirect_vreg.gather [hbm4b:s3+s1], $0x80, v5, vm0, $0xb8;
	[tilespmem:$0x19000] =	vst v63  }
0x20f: {  	s22 =	simm.s32 $0xF800  }
0x210: {  	[tilespmem:s22], [sflag:$0x2] =	stream.indirect_vreg.gather [hbm4b:s3+s1], $0x80, v4, vm0, $0xb8;
	[tilespmem:$0x19000] =	vst v63  }
0x211: {  	v4 =	vld [tilespmem:s19+$0x130];
	_ =	sdelay $0x4  }
0x212: {  	v5 =	vshll.u32 v4, $0x1  }
0x213: {  	v4 =	vand.u32 $0x7, v4;
	v5 =	vand.u32 $0xFFFFFFF0, v5  }
0x214: {  	v4 =	vor.u32 v4, v5  }
0x215: {  	v5 =	vperm.xlane v4, v1;
	_ =	sdelay $0x1  }
0x216: {  	v5 =	vadd.s32 v2, v5  }
0x217: {  	v4 =	vperm.xlane v4, v3;
	_ =	sdelay $0x1  }
0x218: {  	s20 =	sadd.s32 $0x3000, s20;
	v4 =	vadd.s32 v2, v4  }
0x219: {  	p0 =	sne.s32 s20, $0x1E000  }
0x21a: {  	[tilespmem:s31], [sflag:$0x2] =	stream.indirect_vreg.gather [hbm4b:s3+s1], $0x80, v5, vm0, $0xb8;
	[tilespmem:$0x19000] =	vst v63  }
.Ltmp0:
0x21b: {  	_ = 	snop;
	(pc) =	sbr.rel @p0 .LBB2_2-.Ltmp0, $4  }
0x21c: {  	_ = 	snop  }
0x21d: {  	[tilespmem:s29], [sflag:$0x2] =	stream.indirect_vreg.gather [hbm4b:s3+s1], $0x80, v4, vm0, $0xb8;
	[tilespmem:$0x19000] =	vst v63  }
0x21e: {  	s21 =	sadd.s32 $0x2000, s21;
	s19 =	sadd.s32 $0x180, s19  }
0x21f: {  	[hbm4b:s21+s1] =	stream.linear.scatter [tilespmem:s14], [sflag:$0x6], $0x8000, $0x38;
	[tilespmem:$0x19000] =	vst v63  }
0x220: {  	_ =	swait.ge [sflag:s13], $0x8000  }
0x221: {  	[sflag:s13] =	ssyncset.done $0x0  }
0x222: {  	s0 =	simm.s32 $0x6;
	[sflag:s13] =	ssyncadd.s32 $0xFFFF8000  }
0x223: {  	_ =	swait.ge [sflag:s0], $0x8000  }
0x224: {  	[sflag:s0] =	ssyncset.done $0x0  }
0x225: {  	s19 =	rddreg [dreg:$0x15];
	[sflag:s0] =	ssyncadd.s32 $0xFFFF8000  }
0x226: {  	[hbm4b:s19+s1] =	stream.linear.scatter [tilespmem:s9], [sflag:$0x4], $0x8000, $0x38;
	[tilespmem:$0x19000] =	vst v63  }
0x227: {  	_ =	swait.ge [sflag:s15], $0x8000  }
0x228: {  	[sflag:s15] =	ssyncset.done $0x0  }
0x229: {  	[sflag:s15] =	ssyncadd.s32 $0xFFFF8000  }
0x22a: {  	_ =	swait.ge [sflag:s16], $0x8000  }
0x22b: {  	s20 =	simm.s32 $0x1800;
	[sflag:s16] =	ssyncset.done $0x0  }
0x22c: {  	s21 =	simm.s32 $0x2000;
	s23 =	rddreg [dreg:$0x16];
	[sflag:s16] =	ssyncadd.s32 $0xFFFF8000  }
0x22d: {  	[hbm4b:s23+s1] =	stream.linear.scatter [tilespmem:s25], [sflag:$0x5], $0x8000, $0x38;
	[tilespmem:$0x19000] =	vst v63  }
0x22e: {  	s22 =	simm.s32 $0x2800;
	s28 =	simm.s32 $0x4800;
	_ =	swait.ge [sflag:s18], $0x8000  }
0x22f: {  	s29 =	simm.s32 $0x5000;
	s2 =	simm.s32 $0x5800;
	s24 =	rddreg [dreg:$0x18]  }
0x230: {  	s4 =	simm.s32 $0x6000;
	s26 =	rddreg [dreg:$0x17];
	s0 =	sadd.s32 $0x1, s24  }
0x231: {  	s5 =	simm.s32 $0x6800;
	s6 =	simm.s32 $0x7000;
	p0 =	sne.s32 s0, s26  }
.Ltmp1:
0x232: {  	s7 =	simm.s32 $0x7800;
	s8 =	simm.s32 $0x8000;
	(pc) =	sbr.rel @p0 .LBB2_1-.Ltmp1, $4  }
0x233: {  	s10 =	simm.s32 $0x9800;
	s11 =	simm.s32 $0xA000;
	s12 =	simm.s32 $0xA800  }
0x234: {  	s30 =	simm.s32 $0xB000;
	s31 =	simm.s32 $0xB800;
	[sflag:s18] =	ssyncset.done $0x0  }
0x235: {  	s23 =	simm.s32 $0x3000;
	[sflag:s18] =	ssyncadd.s32 $0xFFFF8000;
	s24 =	simm.s32 $0x3800  }
0x236: {  	[dreg:$0x18] =	wrdreg s0;
	s26 =	simm.s32 $0x4000;
	s0 =	simm.s32 $0x8800  }
0x237: {  	_ =	sfence.sel $0x180000  }
0x238: {  	[bflag:$0x0] =	sbarrier.arrive $0xFFFF  }
0x239: {  	_ =	strace $0x90000047  }
0x23a: {  	s0 =	stileid.u32;
	[bflag:$0x2] =	sbarrier.arrive $0xFFFF  }
0x23b: {  	p0 =	sne.s32 s0, $0x0;
	s0 =	rddreg [dreg:$0x3]  }
0x23c: {  	s0 =	sadd.s32 @!p0 $0x100000, s0  }
0x23d: {  	[sflag:s0] =	ssyncadd.tile.s32 @!p0 $0x1;
	_ =	shalt  }
.Lfunc_end2:
_tile_overlayer_lowered:
.L_overlay_start_2:
0x23e: {  	(tag) =	ssettag $0x2  }
0x23f: {  	s0 =	rddreg [dreg:$0x0];
	s2 =	stileid.u32  }
0x240: {  	s1 =	rddreg [dreg:$0x1];
	p0 =	sne.s32 s2, $0x0  }
0x241: {  	s3 =	rddreg [dreg:$0x2];
	[bflag:$0x3] =	sbarrier.arrive $0xFFFF;
	s2 =	simm.s32 @!p0 $0x1C07  }
0x242: {  	[timem:s3], [sflag:s2] =	dma.local @!p0 [hbm:s0], s1  }
0x243: {  	s0 =	simm.s32 @!p0 $0x7  }
0x244: {  	_ =	swait.ge @!p0 [sflag:s0], s1  }
0x245: {  	s1 =	ssub.s32 @!p0 $0x0, s1;
	[sflag:s0] =	ssyncset.done @!p0 $0x0  }
0x246: {  	[sflag:s0] =	ssyncadd.s32 @!p0 s1  }
0x247: {  	[bflag:$0x3] =	sbarrier.arrive $0xFFFF  }
0x248: {  	_ =	shalt  }

</sc_bundles>
